<compile_context>
chip_gen: v7x
topology: tpu7x:2x2x1
jax: 0.10.2.dev20260603
libtpu: 0.0.44.dev20260713+nightly
codegen_flags: <defaults>
</compile_context>

<pallas_src>
import functools

import jax
import jax.numpy as jnp
from jax import lax
from jax.experimental import pallas as pl
from jax.experimental.pallas import tpu as pltpu
from jax.experimental.pallas import tpu_sc as plsc

EMBED_DIM = 64

_NC = 2
_NS = 16
_NW = _NC * _NS

_B = 4096
_T = 200
_TR = _T // 8
_BC = _B // 128
_DEPTH = 4

_VOCAB = 1000000
_TBLK = 8192


@functools.lru_cache(maxsize=None)
def _make_table_relayout():
    def body(x_ref, o_ref):
        t = x_ref[...].T
        o_ref[...] = jnp.concatenate([t, t], axis=1)

    grid = (_VOCAB + _TBLK - 1) // _TBLK
    return pl.pallas_call(
        body,
        grid=(grid,),
        in_specs=[pl.BlockSpec((EMBED_DIM, _TBLK), lambda i: (0, i))],
        out_specs=pl.BlockSpec((_TBLK, 128), lambda i: (i, 0)),
        out_shape=jax.ShapeDtypeStruct((_VOCAB, 128), jnp.float32),
        compiler_params=pltpu.CompilerParams(
            dimension_semantics=("parallel",)),
    )


@functools.lru_cache(maxsize=None)
def _make_kernel():
    mesh = plsc.VectorSubcoreMesh(core_axis_name="c", subcore_axis_name="s")

    @functools.partial(
        pl.kernel,
        mesh=mesh,
        compiler_params=pltpu.CompilerParams(
            use_tc_tiling_on_sc=False, needs_layout_passes=True),
        out_type=jax.ShapeDtypeStruct((_B, _T, 128), jnp.float32),
        scratch_types=[
            pltpu.VMEM((_TR, 1024), jnp.int32),
            pltpu.VMEM((128, EMBED_DIM), jnp.float32),
            pltpu.VMEM((128, EMBED_DIM), jnp.float32),
            pltpu.VMEM((128, EMBED_DIM), jnp.float32),
            pltpu.VMEM((128, EMBED_DIM), jnp.float32),
            pltpu.SemaphoreType.DMA,
            pltpu.SemaphoreType.DMA,
            pltpu.SemaphoreType.DMA,
            pltpu.SemaphoreType.DMA,
            pltpu.SemaphoreType.DMA,
            pltpu.SemaphoreType.DMA,
            pltpu.SemaphoreType.DMA,
            pltpu.SemaphoreType.DMA,
        ],
    )
    def gather_kernel(table_hbm, idx_hbm, out_hbm, idx_v, rows_0, rows_1,
                      rows_2, rows_3, gsem_0, gsem_1, gsem_2, gsem_3,
                      wsem_0, wsem_1, wsem_2, wsem_3):
        wk = lax.axis_index("s") * _NC + lax.axis_index("c")
        rows = (rows_0, rows_1, rows_2, rows_3)
        gsems = (gsem_0, gsem_1, gsem_2, gsem_3)
        wsems = (wsem_0, wsem_1, wsem_2, wsem_3)

        pltpu.sync_copy(idx_hbm.at[:, wk, :], idx_v)

        def g_copy(k, p):
            tr, ts = k // 8, k % 8
            return pltpu.make_async_copy(
                table_hbm.at[idx_v.at[tr, pl.ds(ts * 128, 128)]],
                rows[p], gsems[p])

        def w_copy(k, p):
            return pltpu.make_async_copy(
                rows[p],
                out_hbm.at[pl.ds(wk * 128, 128), k, pl.ds(0, EMBED_DIM)],
                wsems[p])

        for j in range(_DEPTH):
            g_copy(j, j).start()

        def body(r, carry):
            k0 = r * _DEPTH
            for j in range(_DEPTH):
                g_copy(k0 + j, j).wait()
                w_copy(k0 + j, j).start()

            @pl.when(r < _T // _DEPTH - 1)
            def _():
                for j in range(_DEPTH):
                    w_copy(k0 + j, j).wait()
                    g_copy(k0 + _DEPTH + j, j).start()

            return carry

        lax.fori_loop(0, _T // _DEPTH, body, 0)
        for j in range(_DEPTH):
            w_copy(_T - _DEPTH + j, j).wait()

    return gather_kernel


def kernel(indices, weight):
    b, t = indices.shape
    assert (b, t) == (_B, _T)
    idx_t = ((indices.astype(jnp.int32) * 2).T
             .reshape(_TR, 8, _BC, 128)
             .transpose(0, 2, 1, 3)
             .reshape(_TR, _BC, 1024))
    w128 = _make_table_relayout()(weight.T)
    w2 = w128.reshape(2 * _VOCAB, EMBED_DIM)
    out128 = _make_kernel()(w2, idx_t)
    return out128[:, :, :EMBED_DIM]

# --- scband reference (transcript-rebuilt; emitter-appended) ---
"""Pipeline reference for scband-vocab-parallel-embedding-27238682591798 (READ-ONLY COPY).

The authoritative reference and input builder live on the scoring server;
editing this copy changes nothing except your own understanding.
"""

import jax, jax.numpy as jnp
import numpy as np

VOCAB_SIZE = 1000000
EMBED_DIM = 64
WORLD_SIZE = 1  # single-rank simulation: all_reduce is identity
RANK = 0
VOCAB_PER_RANK = VOCAB_SIZE // WORLD_SIZE
VOCAB_START = RANK * VOCAB_PER_RANK
VOCAB_END = VOCAB_START + VOCAB_PER_RANK


def setup_inputs(seed: int = 0) -> dict:
    key = jax.random.key(seed)
    k_idx, k_w = jax.random.split(key)
    indices = jax.random.randint(k_idx, (4096, 200), 0, VOCAB_SIZE, dtype=jnp.int64 if jax.config.jax_enable_x64 else jnp.int32)
    weight = jax.random.normal(k_w, (VOCAB_PER_RANK, EMBED_DIM), dtype=jnp.float32) * 0.02
    return {"indices": indices, "weight": weight}


def reference(indices, weight):
    # mask tokens belonging to this rank's vocab shard
    mask = (indices >= VOCAB_START) & (indices < VOCAB_END)
    local_indices = indices - VOCAB_START
    local_indices = jnp.clip(local_indices, 0, VOCAB_PER_RANK - 1)
    embeddings = jnp.take(weight, local_indices, axis=0)  # [B, T, D]
    embeddings = embeddings * mask[..., None].astype(jnp.float32)
    # dist.all_reduce(SUM) with world_size=1 is identity
    return embeddings

if __name__ == "__main__":
    import jax
    _d = setup_inputs()
    print(jax.jit(kernel)(*tuple(_d.values())))

</pallas_src>

<mosaic_0001>
#map = affine_map<(d0, d1) -> (0, 0)>
#map1 = affine_map<(d0, d1) -> (0, 0, 0)>
module attributes {stable_mosaic.version = 14 : i64} {
  func.func @gather_kernel(%arg0: i32, %arg1: i32, %arg2: memref<2000000x64xf32, #tpu.memory_space<hbm>>, %arg3: memref<25x32x1024xi32, #tpu.memory_space<hbm>>, %arg4: memref<4096x200x128xf32, #tpu.memory_space<hbm>>, %arg5: memref<25x1024xi32, #tpu.memory_space<vmem>>, %arg6: memref<128x64xf32, #tpu.memory_space<vmem>>, %arg7: memref<128x64xf32, #tpu.memory_space<vmem>>, %arg8: memref<128x64xf32, #tpu.memory_space<vmem>>, %arg9: memref<128x64xf32, #tpu.memory_space<vmem>>, %arg10: memref<!tpu.dma_semaphore, #tpu.memory_space<semaphore_mem>>, %arg11: memref<!tpu.dma_semaphore, #tpu.memory_space<semaphore_mem>>, %arg12: memref<!tpu.dma_semaphore, #tpu.memory_space<semaphore_mem>>, %arg13: memref<!tpu.dma_semaphore, #tpu.memory_space<semaphore_mem>>, %arg14: memref<!tpu.dma_semaphore, #tpu.memory_space<semaphore_mem>>, %arg15: memref<!tpu.dma_semaphore, #tpu.memory_space<semaphore_mem>>, %arg16: memref<!tpu.dma_semaphore, #tpu.memory_space<semaphore_mem>>, %arg17: memref<!tpu.dma_semaphore, #tpu.memory_space<semaphore_mem>>) attributes {dimension_semantics = [#tpu.dimension_semantics<core_parallel>, #tpu.dimension_semantics<subcore_parallel>], iteration_bounds = array<i64: 2, 16>, scalar_prefetch = 0 : i64, scratch_operands = 13 : i64, tpu.core_type = #tpu.core_type<sc_vector_subcore>, window_params = [{transform_indices = #map}, {transform_indices = #map1}, {transform_indices = #map1}]} {
    %mul3A = arith.constant 2 : i32
    %mul3A_0 = arith.muli %arg1, %mul3A : i32
    %add3A = arith.addi %mul3A_0, %arg0 : i32
    "tpu.region"() ({
      %run_scoped3A = tpu.sem_alloc : memref<!tpu.dma_semaphore, #tpu.memory_space<semaphore_mem>>
      %dma_start3A_68 = arith.constant 0 : i32
      %dma_start3A_69 = arith.constant 0 : i32
      %dma_start3A_70 = tpu.memref_slice %arg3[%dma_start3A_68, %add3A, %dma_start3A_69] : memref<25x32x1024xi32, #tpu.memory_space<hbm>> -> memref<25x1x1024xi32, #tpu.memory_space<hbm>>
      %dma_start3A_71 = tpu.memref_squeeze %dma_start3A_70 : memref<25x1x1024xi32, #tpu.memory_space<hbm>> -> memref<25x1024xi32, #tpu.memory_space<hbm>>
      %dma_start3A_72 = arith.constant 0 : i32
      %dma_start3A_73 = arith.constant 0 : i32
      %dma_start3A_74 = tpu.memref_slice %arg3[%dma_start3A_72, %add3A, %dma_start3A_73] : memref<25x32x1024xi32, #tpu.memory_space<hbm>> -> memref<25x1x1024xi32, #tpu.memory_space<hbm>>
      %dma_start3A_75 = tpu.memref_squeeze %dma_start3A_74 : memref<25x1x1024xi32, #tpu.memory_space<hbm>> -> memref<25x1024xi32, #tpu.memory_space<hbm>>
      tpu.enqueue_dma source(%dma_start3A_75 : memref<25x1024xi32, #tpu.memory_space<hbm>>) target(%arg5 : memref<25x1024xi32, #tpu.memory_space<vmem>>) target_semaphore(%run_scoped3A : memref<!tpu.dma_semaphore, #tpu.memory_space<semaphore_mem>>)
      %dma_wait3A_76 = arith.constant 0 : i32
      %dma_wait3A_77 = arith.constant 0 : i32
      %dma_wait3A_78 = tpu.memref_slice %arg3[%dma_wait3A_76, %add3A, %dma_wait3A_77] : memref<25x32x1024xi32, #tpu.memory_space<hbm>> -> memref<25x1x1024xi32, #tpu.memory_space<hbm>>
      %dma_wait3A_79 = tpu.memref_squeeze %dma_wait3A_78 : memref<25x1x1024xi32, #tpu.memory_space<hbm>> -> memref<25x1024xi32, #tpu.memory_space<hbm>>
      %dma_wait3A_80 = arith.constant 0 : i32
      %dma_wait3A_81 = arith.constant 0 : i32
      %dma_wait3A_82 = tpu.memref_slice %arg3[%dma_wait3A_80, %add3A, %dma_wait3A_81] : memref<25x32x1024xi32, #tpu.memory_space<hbm>> -> memref<25x1x1024xi32, #tpu.memory_space<hbm>>
      %dma_wait3A_83 = tpu.memref_squeeze %dma_wait3A_82 : memref<25x1x1024xi32, #tpu.memory_space<hbm>> -> memref<25x1024xi32, #tpu.memory_space<hbm>>
      tpu.wait_dma2 semaphore(%run_scoped3A : memref<!tpu.dma_semaphore, #tpu.memory_space<semaphore_mem>>) src(%dma_wait3A_83 : memref<25x1024xi32, #tpu.memory_space<hbm>>) dst(%arg5 : memref<25x1024xi32, #tpu.memory_space<vmem>>)
      tpu.yield
    }) : () -> ()
    %dma_start3A = arith.constant 0 : i32
    %dma_start3A_1 = arith.constant 0 : i32
    %dma_start3A_2 = tpu.memref_slice %arg5[%dma_start3A, %dma_start3A_1] : memref<25x1024xi32, #tpu.memory_space<vmem>> -> memref<1x128xi32, #tpu.memory_space<vmem>>
    %dma_start3A_3 = tpu.memref_squeeze %dma_start3A_2 : memref<1x128xi32, #tpu.memory_space<vmem>> -> memref<128xi32, #tpu.memory_space<vmem>>
    %dma_start3A_4 = arith.constant 0 : i32
    %dma_start3A_5 = arith.constant 0 : i32
    %dma_start3A_6 = tpu.memref_slice %arg2[%dma_start3A_4, %dma_start3A_5] : memref<2000000x64xf32, #tpu.memory_space<hbm>> -> memref<2000000x64xf32, #tpu.memory_space<hbm>>
    tpu.enqueue_indirect_dma source(%dma_start3A_6 : memref<2000000x64xf32, #tpu.memory_space<hbm>>) target(%arg6 : memref<128x64xf32, #tpu.memory_space<vmem>>) offsets(%dma_start3A_3 : memref<128xi32, #tpu.memory_space<vmem>>) semaphore(%arg10 : memref<!tpu.dma_semaphore, #tpu.memory_space<semaphore_mem>>)
    %dma_start3A_7 = arith.constant 0 : i32
    %dma_start3A_8 = arith.constant 128 : i32
    %dma_start3A_9 = tpu.memref_slice %arg5[%dma_start3A_7, %dma_start3A_8] : memref<25x1024xi32, #tpu.memory_space<vmem>> -> memref<1x128xi32, #tpu.memory_space<vmem>>
    %dma_start3A_10 = tpu.memref_squeeze %dma_start3A_9 : memref<1x128xi32, #tpu.memory_space<vmem>> -> memref<128xi32, #tpu.memory_space<vmem>>
    %dma_start3A_11 = arith.constant 0 : i32
    %dma_start3A_12 = arith.constant 0 : i32
    %dma_start3A_13 = tpu.memref_slice %arg2[%dma_start3A_11, %dma_start3A_12] : memref<2000000x64xf32, #tpu.memory_space<hbm>> -> memref<2000000x64xf32, #tpu.memory_space<hbm>>
    tpu.enqueue_indirect_dma source(%dma_start3A_13 : memref<2000000x64xf32, #tpu.memory_space<hbm>>) target(%arg7 : memref<128x64xf32, #tpu.memory_space<vmem>>) offsets(%dma_start3A_10 : memref<128xi32, #tpu.memory_space<vmem>>) semaphore(%arg11 : memref<!tpu.dma_semaphore, #tpu.memory_space<semaphore_mem>>)
    %dma_start3A_14 = arith.constant 0 : i32
    %dma_start3A_15 = arith.constant 256 : i32
    %dma_start3A_16 = tpu.memref_slice %arg5[%dma_start3A_14, %dma_start3A_15] : memref<25x1024xi32, #tpu.memory_space<vmem>> -> memref<1x128xi32, #tpu.memory_space<vmem>>
    %dma_start3A_17 = tpu.memref_squeeze %dma_start3A_16 : memref<1x128xi32, #tpu.memory_space<vmem>> -> memref<128xi32, #tpu.memory_space<vmem>>
    %dma_start3A_18 = arith.constant 0 : i32
    %dma_start3A_19 = arith.constant 0 : i32
    %dma_start3A_20 = tpu.memref_slice %arg2[%dma_start3A_18, %dma_start3A_19] : memref<2000000x64xf32, #tpu.memory_space<hbm>> -> memref<2000000x64xf32, #tpu.memory_space<hbm>>
    tpu.enqueue_indirect_dma source(%dma_start3A_20 : memref<2000000x64xf32, #tpu.memory_space<hbm>>) target(%arg8 : memref<128x64xf32, #tpu.memory_space<vmem>>) offsets(%dma_start3A_17 : memref<128xi32, #tpu.memory_space<vmem>>) semaphore(%arg12 : memref<!tpu.dma_semaphore, #tpu.memory_space<semaphore_mem>>)
    %dma_start3A_21 = arith.constant 0 : i32
    %dma_start3A_22 = arith.constant 384 : i32
    %dma_start3A_23 = tpu.memref_slice %arg5[%dma_start3A_21, %dma_start3A_22] : memref<25x1024xi32, #tpu.memory_space<vmem>> -> memref<1x128xi32, #tpu.memory_space<vmem>>
    %dma_start3A_24 = tpu.memref_squeeze %dma_start3A_23 : memref<1x128xi32, #tpu.memory_space<vmem>> -> memref<128xi32, #tpu.memory_space<vmem>>
    %dma_start3A_25 = arith.constant 0 : i32
    %dma_start3A_26 = arith.constant 0 : i32
    %dma_start3A_27 = tpu.memref_slice %arg2[%dma_start3A_25, %dma_start3A_26] : memref<2000000x64xf32, #tpu.memory_space<hbm>> -> memref<2000000x64xf32, #tpu.memory_space<hbm>>
    tpu.enqueue_indirect_dma source(%dma_start3A_27 : memref<2000000x64xf32, #tpu.memory_space<hbm>>) target(%arg9 : memref<128x64xf32, #tpu.memory_space<vmem>>) offsets(%dma_start3A_24 : memref<128xi32, #tpu.memory_space<vmem>>) semaphore(%arg13 : memref<!tpu.dma_semaphore, #tpu.memory_space<semaphore_mem>>)
    %scan3A = arith.constant 0 : i32
    %scan3A_28 = arith.constant 0 : i32
    %scan3A_29 = arith.constant 50 : i32
    %scan3A_30 = arith.addi %scan3A_28, %scan3A_29 : i32
    %scan3A_31 = arith.constant 1 : i32
    scf.for %scan3A_68 = %scan3A_28 to %scan3A_30 step %scan3A_31  : i32 {
      %mul3A_69 = arith.constant 4 : i32
      %mul3A_70 = arith.muli %scan3A_68, %mul3A_69 : i32
      %add3A_71 = arith.constant 0 : i32
      %add3A_72 = arith.addi %mul3A_70, %add3A_71 : i32
      %jit3A = arith.constant 8 : i32
      %div3A = arith.divsi %add3A_72, %jit3A : i32
      %sign3A = arith.constant 0 : i32
      %sign3A_73 = arith.cmpi sgt, %add3A_72, %sign3A : i32
      %sign3A_74 = arith.extui %sign3A_73 : i1 to i32
      %sign3A_75 = arith.constant 0 : i32
      %sign3A_76 = arith.cmpi slt, %add3A_72, %sign3A_75 : i32
      %sign3A_77 = arith.extui %sign3A_76 : i1 to i32
      %sign3A_78 = arith.subi %sign3A_74, %sign3A_77 : i32
      %sign3A_79 = arith.constant 0 : i32
      %sign3A_80 = arith.cmpi sgt, %jit3A, %sign3A_79 : i32
      %sign3A_81 = arith.extui %sign3A_80 : i1 to i32
      %sign3A_82 = arith.constant 0 : i32
      %sign3A_83 = arith.cmpi slt, %jit3A, %sign3A_82 : i32
      %sign3A_84 = arith.extui %sign3A_83 : i1 to i32
      %sign3A_85 = arith.subi %sign3A_81, %sign3A_84 : i32
      %ne3A = arith.cmpi ne, %sign3A_78, %sign3A_85 : i32
      %rem3A = arith.remsi %add3A_72, %jit3A : i32
      %ne3A_86 = arith.constant 0 : i32
      %ne3A_87 = arith.cmpi ne, %rem3A, %ne3A_86 : i32
      %and3A = arith.andi %ne3A, %ne3A_87 : i1
      %sub3A = arith.constant 1 : i32
      %sub3A_88 = arith.subi %div3A, %sub3A : i32
      %select_n3A = arith.select %and3A, %sub3A_88, %div3A : i32
      %jit3A_89 = arith.constant 8 : i32
      %eq3A = arith.constant 0 : i32
      %eq3A_90 = arith.cmpi eq, %jit3A_89, %eq3A : i32
      %jit3A_91 = arith.constant 1 : i32
      %select_n3A_92 = arith.select %eq3A_90, %jit3A_91, %jit3A_89 : i32
      %rem3A_93 = arith.remsi %add3A_72, %select_n3A_92 : i32
      %ne3A_94 = arith.constant 0 : i32
      %ne3A_95 = arith.cmpi ne, %rem3A_93, %ne3A_94 : i32
      %lt3A = arith.constant 0 : i32
      %lt3A_96 = arith.cmpi slt, %rem3A_93, %lt3A : i32
      %lt3A_97 = arith.constant 0 : i32
      %lt3A_98 = arith.cmpi slt, %select_n3A_92, %lt3A_97 : i32
      %ne3A_99 = arith.xori %lt3A_96, %lt3A_98 : i1
      %and3A_100 = arith.andi %ne3A_99, %ne3A_95 : i1
      %add3A_101 = arith.addi %rem3A_93, %select_n3A_92 : i32
      %select_n3A_102 = arith.select %and3A_100, %add3A_101, %rem3A_93 : i32
      %mul3A_103 = arith.constant 128 : i32
      %mul3A_104 = arith.muli %select_n3A_102, %mul3A_103 : i32
      %dma_wait3A_105 = tpu.memref_slice %arg5[%select_n3A, %mul3A_104] : memref<25x1024xi32, #tpu.memory_space<vmem>> -> memref<1x128xi32, #tpu.memory_space<vmem>>
      %dma_wait3A_106 = tpu.memref_squeeze %dma_wait3A_105 : memref<1x128xi32, #tpu.memory_space<vmem>> -> memref<128xi32, #tpu.memory_space<vmem>>
      %dma_wait3A_107 = arith.constant 0 : i32
      %dma_wait3A_108 = arith.constant 0 : i32
      %dma_wait3A_109 = tpu.memref_slice %arg2[%dma_wait3A_107, %dma_wait3A_108] : memref<2000000x64xf32, #tpu.memory_space<hbm>> -> memref<2000000x64xf32, #tpu.memory_space<hbm>>
      tpu.wait_indirect_dma semaphore(%arg10 : memref<!tpu.dma_semaphore, #tpu.memory_space<semaphore_mem>>) src(%dma_wait3A_109 : memref<2000000x64xf32, #tpu.memory_space<hbm>>) dst(%arg6 : memref<128x64xf32, #tpu.memory_space<vmem>>)
      %add3A_110 = arith.constant 0 : i32
      %add3A_111 = arith.addi %mul3A_70, %add3A_110 : i32
      %mul3A_112 = arith.constant 128 : i32
      %mul3A_113 = arith.muli %add3A, %mul3A_112 : i32
      %dma_start3A_114 = arith.constant 0 : i32
      %dma_start3A_115 = tpu.memref_slice %arg4[%mul3A_113, %add3A_111, %dma_start3A_114] : memref<4096x200x128xf32, #tpu.memory_space<hbm>> -> memref<128x1x64xf32, #tpu.memory_space<hbm>>
      %dma_start3A_116 = tpu.memref_squeeze %dma_start3A_115 : memref<128x1x64xf32, #tpu.memory_space<hbm>> -> memref<128x64xf32, #tpu.memory_space<hbm>>
      %dma_start3A_117 = arith.constant 0 : i32
      %dma_start3A_118 = tpu.memref_slice %arg4[%mul3A_113, %add3A_111, %dma_start3A_117] : memref<4096x200x128xf32, #tpu.memory_space<hbm>> -> memref<128x1x64xf32, #tpu.memory_space<hbm>>
      %dma_start3A_119 = tpu.memref_squeeze %dma_start3A_118 : memref<128x1x64xf32, #tpu.memory_space<hbm>> -> memref<128x64xf32, #tpu.memory_space<hbm>>
      tpu.enqueue_dma source(%arg6 : memref<128x64xf32, #tpu.memory_space<vmem>>) target(%dma_start3A_119 : memref<128x64xf32, #tpu.memory_space<hbm>>) target_semaphore(%arg14 : memref<!tpu.dma_semaphore, #tpu.memory_space<semaphore_mem>>)
      %add3A_120 = arith.constant 1 : i32
      %add3A_121 = arith.addi %mul3A_70, %add3A_120 : i32
      %jit3A_122 = arith.constant 8 : i32
      %div3A_123 = arith.divsi %add3A_121, %jit3A_122 : i32
      %sign3A_124 = arith.constant 0 : i32
      %sign3A_125 = arith.cmpi sgt, %add3A_121, %sign3A_124 : i32
      %sign3A_126 = arith.extui %sign3A_125 : i1 to i32
      %sign3A_127 = arith.constant 0 : i32
      %sign3A_128 = arith.cmpi slt, %add3A_121, %sign3A_127 : i32
      %sign3A_129 = arith.extui %sign3A_128 : i1 to i32
      %sign3A_130 = arith.subi %sign3A_126, %sign3A_129 : i32
      %sign3A_131 = arith.constant 0 : i32
      %sign3A_132 = arith.cmpi sgt, %jit3A_122, %sign3A_131 : i32
      %sign3A_133 = arith.extui %sign3A_132 : i1 to i32
      %sign3A_134 = arith.constant 0 : i32
      %sign3A_135 = arith.cmpi slt, %jit3A_122, %sign3A_134 : i32
      %sign3A_136 = arith.extui %sign3A_135 : i1 to i32
      %sign3A_137 = arith.subi %sign3A_133, %sign3A_136 : i32
      %ne3A_138 = arith.cmpi ne, %sign3A_130, %sign3A_137 : i32
      %rem3A_139 = arith.remsi %add3A_121, %jit3A_122 : i32
      %ne3A_140 = arith.constant 0 : i32
      %ne3A_141 = arith.cmpi ne, %rem3A_139, %ne3A_140 : i32
      %and3A_142 = arith.andi %ne3A_138, %ne3A_141 : i1
      %sub3A_143 = arith.constant 1 : i32
      %sub3A_144 = arith.subi %div3A_123, %sub3A_143 : i32
      %select_n3A_145 = arith.select %and3A_142, %sub3A_144, %div3A_123 : i32
      %jit3A_146 = arith.constant 8 : i32
      %eq3A_147 = arith.constant 0 : i32
      %eq3A_148 = arith.cmpi eq, %jit3A_146, %eq3A_147 : i32
      %jit3A_149 = arith.constant 1 : i32
      %select_n3A_150 = arith.select %eq3A_148, %jit3A_149, %jit3A_146 : i32
      %rem3A_151 = arith.remsi %add3A_121, %select_n3A_150 : i32
      %ne3A_152 = arith.constant 0 : i32
      %ne3A_153 = arith.cmpi ne, %rem3A_151, %ne3A_152 : i32
      %lt3A_154 = arith.constant 0 : i32
      %lt3A_155 = arith.cmpi slt, %rem3A_151, %lt3A_154 : i32
      %lt3A_156 = arith.constant 0 : i32
      %lt3A_157 = arith.cmpi slt, %select_n3A_150, %lt3A_156 : i32
      %ne3A_158 = arith.xori %lt3A_155, %lt3A_157 : i1
      %and3A_159 = arith.andi %ne3A_158, %ne3A_153 : i1
      %add3A_160 = arith.addi %rem3A_151, %select_n3A_150 : i32
      %select_n3A_161 = arith.select %and3A_159, %add3A_160, %rem3A_151 : i32
      %mul3A_162 = arith.constant 128 : i32
      %mul3A_163 = arith.muli %select_n3A_161, %mul3A_162 : i32
      %dma_wait3A_164 = tpu.memref_slice %arg5[%select_n3A_145, %mul3A_163] : memref<25x1024xi32, #tpu.memory_space<vmem>> -> memref<1x128xi32, #tpu.memory_space<vmem>>
      %dma_wait3A_165 = tpu.memref_squeeze %dma_wait3A_164 : memref<1x128xi32, #tpu.memory_space<vmem>> -> memref<128xi32, #tpu.memory_space<vmem>>
      %dma_wait3A_166 = arith.constant 0 : i32
      %dma_wait3A_167 = arith.constant 0 : i32
      %dma_wait3A_168 = tpu.memref_slice %arg2[%dma_wait3A_166, %dma_wait3A_167] : memref<2000000x64xf32, #tpu.memory_space<hbm>> -> memref<2000000x64xf32, #tpu.memory_space<hbm>>
      tpu.wait_indirect_dma semaphore(%arg11 : memref<!tpu.dma_semaphore, #tpu.memory_space<semaphore_mem>>) src(%dma_wait3A_168 : memref<2000000x64xf32, #tpu.memory_space<hbm>>) dst(%arg7 : memref<128x64xf32, #tpu.memory_space<vmem>>)
      %add3A_169 = arith.constant 1 : i32
      %add3A_170 = arith.addi %mul3A_70, %add3A_169 : i32
      %mul3A_171 = arith.constant 128 : i32
      %mul3A_172 = arith.muli %add3A, %mul3A_171 : i32
      %dma_start3A_173 = arith.constant 0 : i32
      %dma_start3A_174 = tpu.memref_slice %arg4[%mul3A_172, %add3A_170, %dma_start3A_173] : memref<4096x200x128xf32, #tpu.memory_space<hbm>> -> memref<128x1x64xf32, #tpu.memory_space<hbm>>
      %dma_start3A_175 = tpu.memref_squeeze %dma_start3A_174 : memref<128x1x64xf32, #tpu.memory_space<hbm>> -> memref<128x64xf32, #tpu.memory_space<hbm>>
      %dma_start3A_176 = arith.constant 0 : i32
      %dma_start3A_177 = tpu.memref_slice %arg4[%mul3A_172, %add3A_170, %dma_start3A_176] : memref<4096x200x128xf32, #tpu.memory_space<hbm>> -> memref<128x1x64xf32, #tpu.memory_space<hbm>>
      %dma_start3A_178 = tpu.memref_squeeze %dma_start3A_177 : memref<128x1x64xf32, #tpu.memory_space<hbm>> -> memref<128x64xf32, #tpu.memory_space<hbm>>
      tpu.enqueue_dma source(%arg7 : memref<128x64xf32, #tpu.memory_space<vmem>>) target(%dma_start3A_178 : memref<128x64xf32, #tpu.memory_space<hbm>>) target_semaphore(%arg15 : memref<!tpu.dma_semaphore, #tpu.memory_space<semaphore_mem>>)
      %add3A_179 = arith.constant 2 : i32
      %add3A_180 = arith.addi %mul3A_70, %add3A_179 : i32
      %jit3A_181 = arith.constant 8 : i32
      %div3A_182 = arith.divsi %add3A_180, %jit3A_181 : i32
      %sign3A_183 = arith.constant 0 : i32
      %sign3A_184 = arith.cmpi sgt, %add3A_180, %sign3A_183 : i32
      %sign3A_185 = arith.extui %sign3A_184 : i1 to i32
      %sign3A_186 = arith.constant 0 : i32
      %sign3A_187 = arith.cmpi slt, %add3A_180, %sign3A_186 : i32
      %sign3A_188 = arith.extui %sign3A_187 : i1 to i32
      %sign3A_189 = arith.subi %sign3A_185, %sign3A_188 : i32
      %sign3A_190 = arith.constant 0 : i32
      %sign3A_191 = arith.cmpi sgt, %jit3A_181, %sign3A_190 : i32
      %sign3A_192 = arith.extui %sign3A_191 : i1 to i32
      %sign3A_193 = arith.constant 0 : i32
      %sign3A_194 = arith.cmpi slt, %jit3A_181, %sign3A_193 : i32
      %sign3A_195 = arith.extui %sign3A_194 : i1 to i32
      %sign3A_196 = arith.subi %sign3A_192, %sign3A_195 : i32
      %ne3A_197 = arith.cmpi ne, %sign3A_189, %sign3A_196 : i32
      %rem3A_198 = arith.remsi %add3A_180, %jit3A_181 : i32
      %ne3A_199 = arith.constant 0 : i32
      %ne3A_200 = arith.cmpi ne, %rem3A_198, %ne3A_199 : i32
      %and3A_201 = arith.andi %ne3A_197, %ne3A_200 : i1
      %sub3A_202 = arith.constant 1 : i32
      %sub3A_203 = arith.subi %div3A_182, %sub3A_202 : i32
      %select_n3A_204 = arith.select %and3A_201, %sub3A_203, %div3A_182 : i32
      %jit3A_205 = arith.constant 8 : i32
      %eq3A_206 = arith.constant 0 : i32
      %eq3A_207 = arith.cmpi eq, %jit3A_205, %eq3A_206 : i32
      %jit3A_208 = arith.constant 1 : i32
      %select_n3A_209 = arith.select %eq3A_207, %jit3A_208, %jit3A_205 : i32
      %rem3A_210 = arith.remsi %add3A_180, %select_n3A_209 : i32
      %ne3A_211 = arith.constant 0 : i32
      %ne3A_212 = arith.cmpi ne, %rem3A_210, %ne3A_211 : i32
      %lt3A_213 = arith.constant 0 : i32
      %lt3A_214 = arith.cmpi slt, %rem3A_210, %lt3A_213 : i32
      %lt3A_215 = arith.constant 0 : i32
      %lt3A_216 = arith.cmpi slt, %select_n3A_209, %lt3A_215 : i32
      %ne3A_217 = arith.xori %lt3A_214, %lt3A_216 : i1
      %and3A_218 = arith.andi %ne3A_217, %ne3A_212 : i1
      %add3A_219 = arith.addi %rem3A_210, %select_n3A_209 : i32
      %select_n3A_220 = arith.select %and3A_218, %add3A_219, %rem3A_210 : i32
      %mul3A_221 = arith.constant 128 : i32
      %mul3A_222 = arith.muli %select_n3A_220, %mul3A_221 : i32
      %dma_wait3A_223 = tpu.memref_slice %arg5[%select_n3A_204, %mul3A_222] : memref<25x1024xi32, #tpu.memory_space<vmem>> -> memref<1x128xi32, #tpu.memory_space<vmem>>
      %dma_wait3A_224 = tpu.memref_squeeze %dma_wait3A_223 : memref<1x128xi32, #tpu.memory_space<vmem>> -> memref<128xi32, #tpu.memory_space<vmem>>
      %dma_wait3A_225 = arith.constant 0 : i32
      %dma_wait3A_226 = arith.constant 0 : i32
      %dma_wait3A_227 = tpu.memref_slice %arg2[%dma_wait3A_225, %dma_wait3A_226] : memref<2000000x64xf32, #tpu.memory_space<hbm>> -> memref<2000000x64xf32, #tpu.memory_space<hbm>>
      tpu.wait_indirect_dma semaphore(%arg12 : memref<!tpu.dma_semaphore, #tpu.memory_space<semaphore_mem>>) src(%dma_wait3A_227 : memref<2000000x64xf32, #tpu.memory_space<hbm>>) dst(%arg8 : memref<128x64xf32, #tpu.memory_space<vmem>>)
      %add3A_228 = arith.constant 2 : i32
      %add3A_229 = arith.addi %mul3A_70, %add3A_228 : i32
      %mul3A_230 = arith.constant 128 : i32
      %mul3A_231 = arith.muli %add3A, %mul3A_230 : i32
      %dma_start3A_232 = arith.constant 0 : i32
      %dma_start3A_233 = tpu.memref_slice %arg4[%mul3A_231, %add3A_229, %dma_start3A_232] : memref<4096x200x128xf32, #tpu.memory_space<hbm>> -> memref<128x1x64xf32, #tpu.memory_space<hbm>>
      %dma_start3A_234 = tpu.memref_squeeze %dma_start3A_233 : memref<128x1x64xf32, #tpu.memory_space<hbm>> -> memref<128x64xf32, #tpu.memory_space<hbm>>
      %dma_start3A_235 = arith.constant 0 : i32
      %dma_start3A_236 = tpu.memref_slice %arg4[%mul3A_231, %add3A_229, %dma_start3A_235] : memref<4096x200x128xf32, #tpu.memory_space<hbm>> -> memref<128x1x64xf32, #tpu.memory_space<hbm>>
      %dma_start3A_237 = tpu.memref_squeeze %dma_start3A_236 : memref<128x1x64xf32, #tpu.memory_space<hbm>> -> memref<128x64xf32, #tpu.memory_space<hbm>>
      tpu.enqueue_dma source(%arg8 : memref<128x64xf32, #tpu.memory_space<vmem>>) target(%dma_start3A_237 : memref<128x64xf32, #tpu.memory_space<hbm>>) target_semaphore(%arg16 : memref<!tpu.dma_semaphore, #tpu.memory_space<semaphore_mem>>)
      %add3A_238 = arith.constant 3 : i32
      %add3A_239 = arith.addi %mul3A_70, %add3A_238 : i32
      %jit3A_240 = arith.constant 8 : i32
      %div3A_241 = arith.divsi %add3A_239, %jit3A_240 : i32
      %sign3A_242 = arith.constant 0 : i32
      %sign3A_243 = arith.cmpi sgt, %add3A_239, %sign3A_242 : i32
      %sign3A_244 = arith.extui %sign3A_243 : i1 to i32
      %sign3A_245 = arith.constant 0 : i32
      %sign3A_246 = arith.cmpi slt, %add3A_239, %sign3A_245 : i32
      %sign3A_247 = arith.extui %sign3A_246 : i1 to i32
      %sign3A_248 = arith.subi %sign3A_244, %sign3A_247 : i32
      %sign3A_249 = arith.constant 0 : i32
      %sign3A_250 = arith.cmpi sgt, %jit3A_240, %sign3A_249 : i32
      %sign3A_251 = arith.extui %sign3A_250 : i1 to i32
      %sign3A_252 = arith.constant 0 : i32
      %sign3A_253 = arith.cmpi slt, %jit3A_240, %sign3A_252 : i32
      %sign3A_254 = arith.extui %sign3A_253 : i1 to i32
      %sign3A_255 = arith.subi %sign3A_251, %sign3A_254 : i32
      %ne3A_256 = arith.cmpi ne, %sign3A_248, %sign3A_255 : i32
      %rem3A_257 = arith.remsi %add3A_239, %jit3A_240 : i32
      %ne3A_258 = arith.constant 0 : i32
      %ne3A_259 = arith.cmpi ne, %rem3A_257, %ne3A_258 : i32
      %and3A_260 = arith.andi %ne3A_256, %ne3A_259 : i1
      %sub3A_261 = arith.constant 1 : i32
      %sub3A_262 = arith.subi %div3A_241, %sub3A_261 : i32
      %select_n3A_263 = arith.select %and3A_260, %sub3A_262, %div3A_241 : i32
      %jit3A_264 = arith.constant 8 : i32
      %eq3A_265 = arith.constant 0 : i32
      %eq3A_266 = arith.cmpi eq, %jit3A_264, %eq3A_265 : i32
      %jit3A_267 = arith.constant 1 : i32
      %select_n3A_268 = arith.select %eq3A_266, %jit3A_267, %jit3A_264 : i32
      %rem3A_269 = arith.remsi %add3A_239, %select_n3A_268 : i32
      %ne3A_270 = arith.constant 0 : i32
      %ne3A_271 = arith.cmpi ne, %rem3A_269, %ne3A_270 : i32
      %lt3A_272 = arith.constant 0 : i32
      %lt3A_273 = arith.cmpi slt, %rem3A_269, %lt3A_272 : i32
      %lt3A_274 = arith.constant 0 : i32
      %lt3A_275 = arith.cmpi slt, %select_n3A_268, %lt3A_274 : i32
      %ne3A_276 = arith.xori %lt3A_273, %lt3A_275 : i1
      %and3A_277 = arith.andi %ne3A_276, %ne3A_271 : i1
      %add3A_278 = arith.addi %rem3A_269, %select_n3A_268 : i32
      %select_n3A_279 = arith.select %and3A_277, %add3A_278, %rem3A_269 : i32
      %mul3A_280 = arith.constant 128 : i32
      %mul3A_281 = arith.muli %select_n3A_279, %mul3A_280 : i32
      %dma_wait3A_282 = tpu.memref_slice %arg5[%select_n3A_263, %mul3A_281] : memref<25x1024xi32, #tpu.memory_space<vmem>> -> memref<1x128xi32, #tpu.memory_space<vmem>>
      %dma_wait3A_283 = tpu.memref_squeeze %dma_wait3A_282 : memref<1x128xi32, #tpu.memory_space<vmem>> -> memref<128xi32, #tpu.memory_space<vmem>>
      %dma_wait3A_284 = arith.constant 0 : i32
      %dma_wait3A_285 = arith.constant 0 : i32
      %dma_wait3A_286 = tpu.memref_slice %arg2[%dma_wait3A_284, %dma_wait3A_285] : memref<2000000x64xf32, #tpu.memory_space<hbm>> -> memref<2000000x64xf32, #tpu.memory_space<hbm>>
      tpu.wait_indirect_dma semaphore(%arg13 : memref<!tpu.dma_semaphore, #tpu.memory_space<semaphore_mem>>) src(%dma_wait3A_286 : memref<2000000x64xf32, #tpu.memory_space<hbm>>) dst(%arg9 : memref<128x64xf32, #tpu.memory_space<vmem>>)
      %add3A_287 = arith.constant 3 : i32
      %add3A_288 = arith.addi %mul3A_70, %add3A_287 : i32
      %mul3A_289 = arith.constant 128 : i32
      %mul3A_290 = arith.muli %add3A, %mul3A_289 : i32
      %dma_start3A_291 = arith.constant 0 : i32
      %dma_start3A_292 = tpu.memref_slice %arg4[%mul3A_290, %add3A_288, %dma_start3A_291] : memref<4096x200x128xf32, #tpu.memory_space<hbm>> -> memref<128x1x64xf32, #tpu.memory_space<hbm>>
      %dma_start3A_293 = tpu.memref_squeeze %dma_start3A_292 : memref<128x1x64xf32, #tpu.memory_space<hbm>> -> memref<128x64xf32, #tpu.memory_space<hbm>>
      %dma_start3A_294 = arith.constant 0 : i32
      %dma_start3A_295 = tpu.memref_slice %arg4[%mul3A_290, %add3A_288, %dma_start3A_294] : memref<4096x200x128xf32, #tpu.memory_space<hbm>> -> memref<128x1x64xf32, #tpu.memory_space<hbm>>
      %dma_start3A_296 = tpu.memref_squeeze %dma_start3A_295 : memref<128x1x64xf32, #tpu.memory_space<hbm>> -> memref<128x64xf32, #tpu.memory_space<hbm>>
      tpu.enqueue_dma source(%arg9 : memref<128x64xf32, #tpu.memory_space<vmem>>) target(%dma_start3A_296 : memref<128x64xf32, #tpu.memory_space<hbm>>) target_semaphore(%arg17 : memref<!tpu.dma_semaphore, #tpu.memory_space<semaphore_mem>>)
      %lt3A_297 = arith.constant 49 : i32
      %lt3A_298 = arith.cmpi slt, %scan3A_68, %lt3A_297 : i32
      %convert_element_type3A = arith.extui %lt3A_298 : i1 to i32
      %cond3A = arith.constant 0 : i32
      %cond3A_299 = arith.cmpi ne, %convert_element_type3A, %cond3A : i32
      scf.if %cond3A_299 {
        %add3A_300 = arith.constant 0 : i32
        %add3A_301 = arith.addi %mul3A_70, %add3A_300 : i32
        %mul3A_302 = arith.constant 128 : i32
        %mul3A_303 = arith.muli %add3A, %mul3A_302 : i32
        %dma_wait3A_304 = arith.constant 0 : i32
        %dma_wait3A_305 = tpu.memref_slice %arg4[%mul3A_303, %add3A_301, %dma_wait3A_304] : memref<4096x200x128xf32, #tpu.memory_space<hbm>> -> memref<128x1x64xf32, #tpu.memory_space<hbm>>
        %dma_wait3A_306 = tpu.memref_squeeze %dma_wait3A_305 : memref<128x1x64xf32, #tpu.memory_space<hbm>> -> memref<128x64xf32, #tpu.memory_space<hbm>>
        %dma_wait3A_307 = arith.constant 0 : i32
        %dma_wait3A_308 = tpu.memref_slice %arg4[%mul3A_303, %add3A_301, %dma_wait3A_307] : memref<4096x200x128xf32, #tpu.memory_space<hbm>> -> memref<128x1x64xf32, #tpu.memory_space<hbm>>
        %dma_wait3A_309 = tpu.memref_squeeze %dma_wait3A_308 : memref<128x1x64xf32, #tpu.memory_space<hbm>> -> memref<128x64xf32, #tpu.memory_space<hbm>>
        tpu.wait_dma2 semaphore(%arg14 : memref<!tpu.dma_semaphore, #tpu.memory_space<semaphore_mem>>) src(%arg6 : memref<128x64xf32, #tpu.memory_space<vmem>>) dst(%dma_wait3A_309 : memref<128x64xf32, #tpu.memory_space<hbm>>)
        %add3A_310 = arith.constant 4 : i32
        %add3A_311 = arith.addi %mul3A_70, %add3A_310 : i32
        %add3A_312 = arith.constant 0 : i32
        %add3A_313 = arith.addi %add3A_311, %add3A_312 : i32
        %jit3A_314 = arith.constant 8 : i32
        %div3A_315 = arith.divsi %add3A_313, %jit3A_314 : i32
        %sign3A_316 = arith.constant 0 : i32
        %sign3A_317 = arith.cmpi sgt, %add3A_313, %sign3A_316 : i32
        %sign3A_318 = arith.extui %sign3A_317 : i1 to i32
        %sign3A_319 = arith.constant 0 : i32
        %sign3A_320 = arith.cmpi slt, %add3A_313, %sign3A_319 : i32
        %sign3A_321 = arith.extui %sign3A_320 : i1 to i32
        %sign3A_322 = arith.subi %sign3A_318, %sign3A_321 : i32
        %sign3A_323 = arith.constant 0 : i32
        %sign3A_324 = arith.cmpi sgt, %jit3A_314, %sign3A_323 : i32
        %sign3A_325 = arith.extui %sign3A_324 : i1 to i32
        %sign3A_326 = arith.constant 0 : i32
        %sign3A_327 = arith.cmpi slt, %jit3A_314, %sign3A_326 : i32
        %sign3A_328 = arith.extui %sign3A_327 : i1 to i32
        %sign3A_329 = arith.subi %sign3A_325, %sign3A_328 : i32
        %ne3A_330 = arith.cmpi ne, %sign3A_322, %sign3A_329 : i32
        %rem3A_331 = arith.remsi %add3A_313, %jit3A_314 : i32
        %ne3A_332 = arith.constant 0 : i32
        %ne3A_333 = arith.cmpi ne, %rem3A_331, %ne3A_332 : i32
        %and3A_334 = arith.andi %ne3A_330, %ne3A_333 : i1
        %sub3A_335 = arith.constant 1 : i32
        %sub3A_336 = arith.subi %div3A_315, %sub3A_335 : i32
        %select_n3A_337 = arith.select %and3A_334, %sub3A_336, %div3A_315 : i32
        %jit3A_338 = arith.constant 8 : i32
        %eq3A_339 = arith.constant 0 : i32
        %eq3A_340 = arith.cmpi eq, %jit3A_338, %eq3A_339 : i32
        %jit3A_341 = arith.constant 1 : i32
        %select_n3A_342 = arith.select %eq3A_340, %jit3A_341, %jit3A_338 : i32
        %rem3A_343 = arith.remsi %add3A_313, %select_n3A_342 : i32
        %ne3A_344 = arith.constant 0 : i32
        %ne3A_345 = arith.cmpi ne, %rem3A_343, %ne3A_344 : i32
        %lt3A_346 = arith.constant 0 : i32
        %lt3A_347 = arith.cmpi slt, %rem3A_343, %lt3A_346 : i32
        %lt3A_348 = arith.constant 0 : i32
        %lt3A_349 = arith.cmpi slt, %select_n3A_342, %lt3A_348 : i32
        %ne3A_350 = arith.xori %lt3A_347, %lt3A_349 : i1
        %and3A_351 = arith.andi %ne3A_350, %ne3A_345 : i1
        %add3A_352 = arith.addi %rem3A_343, %select_n3A_342 : i32
        %select_n3A_353 = arith.select %and3A_351, %add3A_352, %rem3A_343 : i32
        %mul3A_354 = arith.constant 128 : i32
        %mul3A_355 = arith.muli %select_n3A_353, %mul3A_354 : i32
        %dma_start3A_356 = tpu.memref_slice %arg5[%select_n3A_337, %mul3A_355] : memref<25x1024xi32, #tpu.memory_space<vmem>> -> memref<1x128xi32, #tpu.memory_space<vmem>>
        %dma_start3A_357 = tpu.memref_squeeze %dma_start3A_356 : memref<1x128xi32, #tpu.memory_space<vmem>> -> memref<128xi32, #tpu.memory_space<vmem>>
        %dma_start3A_358 = arith.constant 0 : i32
        %dma_start3A_359 = arith.constant 0 : i32
        %dma_start3A_360 = tpu.memref_slice %arg2[%dma_start3A_358, %dma_start3A_359] : memref<2000000x64xf32, #tpu.memory_space<hbm>> -> memref<2000000x64xf32, #tpu.memory_space<hbm>>
        tpu.enqueue_indirect_dma source(%dma_start3A_360 : memref<2000000x64xf32, #tpu.memory_space<hbm>>) target(%arg6 : memref<128x64xf32, #tpu.memory_space<vmem>>) offsets(%dma_start3A_357 : memref<128xi32, #tpu.memory_space<vmem>>) semaphore(%arg10 : memref<!tpu.dma_semaphore, #tpu.memory_space<semaphore_mem>>)
        %add3A_361 = arith.constant 1 : i32
        %add3A_362 = arith.addi %mul3A_70, %add3A_361 : i32
        %mul3A_363 = arith.constant 128 : i32
        %mul3A_364 = arith.muli %add3A, %mul3A_363 : i32
        %dma_wait3A_365 = arith.constant 0 : i32
        %dma_wait3A_366 = tpu.memref_slice %arg4[%mul3A_364, %add3A_362, %dma_wait3A_365] : memref<4096x200x128xf32, #tpu.memory_space<hbm>> -> memref<128x1x64xf32, #tpu.memory_space<hbm>>
        %dma_wait3A_367 = tpu.memref_squeeze %dma_wait3A_366 : memref<128x1x64xf32, #tpu.memory_space<hbm>> -> memref<128x64xf32, #tpu.memory_space<hbm>>
        %dma_wait3A_368 = arith.constant 0 : i32
        %dma_wait3A_369 = tpu.memref_slice %arg4[%mul3A_364, %add3A_362, %dma_wait3A_368] : memref<4096x200x128xf32, #tpu.memory_space<hbm>> -> memref<128x1x64xf32, #tpu.memory_space<hbm>>
        %dma_wait3A_370 = tpu.memref_squeeze %dma_wait3A_369 : memref<128x1x64xf32, #tpu.memory_space<hbm>> -> memref<128x64xf32, #tpu.memory_space<hbm>>
        tpu.wait_dma2 semaphore(%arg15 : memref<!tpu.dma_semaphore, #tpu.memory_space<semaphore_mem>>) src(%arg7 : memref<128x64xf32, #tpu.memory_space<vmem>>) dst(%dma_wait3A_370 : memref<128x64xf32, #tpu.memory_space<hbm>>)
        %add3A_371 = arith.constant 4 : i32
        %add3A_372 = arith.addi %mul3A_70, %add3A_371 : i32
        %add3A_373 = arith.constant 1 : i32
        %add3A_374 = arith.addi %add3A_372, %add3A_373 : i32
        %jit3A_375 = arith.constant 8 : i32
        %div3A_376 = arith.divsi %add3A_374, %jit3A_375 : i32
        %sign3A_377 = arith.constant 0 : i32
        %sign3A_378 = arith.cmpi sgt, %add3A_374, %sign3A_377 : i32
        %sign3A_379 = arith.extui %sign3A_378 : i1 to i32
        %sign3A_380 = arith.constant 0 : i32
        %sign3A_381 = arith.cmpi slt, %add3A_374, %sign3A_380 : i32
        %sign3A_382 = arith.extui %sign3A_381 : i1 to i32
        %sign3A_383 = arith.subi %sign3A_379, %sign3A_382 : i32
        %sign3A_384 = arith.constant 0 : i32
        %sign3A_385 = arith.cmpi sgt, %jit3A_375, %sign3A_384 : i32
        %sign3A_386 = arith.extui %sign3A_385 : i1 to i32
        %sign3A_387 = arith.constant 0 : i32
        %sign3A_388 = arith.cmpi slt, %jit3A_375, %sign3A_387 : i32
        %sign3A_389 = arith.extui %sign3A_388 : i1 to i32
        %sign3A_390 = arith.subi %sign3A_386, %sign3A_389 : i32
        %ne3A_391 = arith.cmpi ne, %sign3A_383, %sign3A_390 : i32
        %rem3A_392 = arith.remsi %add3A_374, %jit3A_375 : i32
        %ne3A_393 = arith.constant 0 : i32
        %ne3A_394 = arith.cmpi ne, %rem3A_392, %ne3A_393 : i32
        %and3A_395 = arith.andi %ne3A_391, %ne3A_394 : i1
        %sub3A_396 = arith.constant 1 : i32
        %sub3A_397 = arith.subi %div3A_376, %sub3A_396 : i32
        %select_n3A_398 = arith.select %and3A_395, %sub3A_397, %div3A_376 : i32
        %jit3A_399 = arith.constant 8 : i32
        %eq3A_400 = arith.constant 0 : i32
        %eq3A_401 = arith.cmpi eq, %jit3A_399, %eq3A_400 : i32
        %jit3A_402 = arith.constant 1 : i32
        %select_n3A_403 = arith.select %eq3A_401, %jit3A_402, %jit3A_399 : i32
        %rem3A_404 = arith.remsi %add3A_374, %select_n3A_403 : i32
        %ne3A_405 = arith.constant 0 : i32
        %ne3A_406 = arith.cmpi ne, %rem3A_404, %ne3A_405 : i32
        %lt3A_407 = arith.constant 0 : i32
        %lt3A_408 = arith.cmpi slt, %rem3A_404, %lt3A_407 : i32
        %lt3A_409 = arith.constant 0 : i32
        %lt3A_410 = arith.cmpi slt, %select_n3A_403, %lt3A_409 : i32
        %ne3A_411 = arith.xori %lt3A_408, %lt3A_410 : i1
        %and3A_412 = arith.andi %ne3A_411, %ne3A_406 : i1
        %add3A_413 = arith.addi %rem3A_404, %select_n3A_403 : i32
        %select_n3A_414 = arith.select %and3A_412, %add3A_413, %rem3A_404 : i32
        %mul3A_415 = arith.constant 128 : i32
        %mul3A_416 = arith.muli %select_n3A_414, %mul3A_415 : i32
        %dma_start3A_417 = tpu.memref_slice %arg5[%select_n3A_398, %mul3A_416] : memref<25x1024xi32, #tpu.memory_space<vmem>> -> memref<1x128xi32, #tpu.memory_space<vmem>>
        %dma_start3A_418 = tpu.memref_squeeze %dma_start3A_417 : memref<1x128xi32, #tpu.memory_space<vmem>> -> memref<128xi32, #tpu.memory_space<vmem>>
        %dma_start3A_419 = arith.constant 0 : i32
        %dma_start3A_420 = arith.constant 0 : i32
        %dma_start3A_421 = tpu.memref_slice %arg2[%dma_start3A_419, %dma_start3A_420] : memref<2000000x64xf32, #tpu.memory_space<hbm>> -> memref<2000000x64xf32, #tpu.memory_space<hbm>>
        tpu.enqueue_indirect_dma source(%dma_start3A_421 : memref<2000000x64xf32, #tpu.memory_space<hbm>>) target(%arg7 : memref<128x64xf32, #tpu.memory_space<vmem>>) offsets(%dma_start3A_418 : memref<128xi32, #tpu.memory_space<vmem>>) semaphore(%arg11 : memref<!tpu.dma_semaphore, #tpu.memory_space<semaphore_mem>>)
        %add3A_422 = arith.constant 2 : i32
        %add3A_423 = arith.addi %mul3A_70, %add3A_422 : i32
        %mul3A_424 = arith.constant 128 : i32
        %mul3A_425 = arith.muli %add3A, %mul3A_424 : i32
        %dma_wait3A_426 = arith.constant 0 : i32
        %dma_wait3A_427 = tpu.memref_slice %arg4[%mul3A_425, %add3A_423, %dma_wait3A_426] : memref<4096x200x128xf32, #tpu.memory_space<hbm>> -> memref<128x1x64xf32, #tpu.memory_space<hbm>>
        %dma_wait3A_428 = tpu.memref_squeeze %dma_wait3A_427 : memref<128x1x64xf32, #tpu.memory_space<hbm>> -> memref<128x64xf32, #tpu.memory_space<hbm>>
        %dma_wait3A_429 = arith.constant 0 : i32
        %dma_wait3A_430 = tpu.memref_slice %arg4[%mul3A_425, %add3A_423, %dma_wait3A_429] : memref<4096x200x128xf32, #tpu.memory_space<hbm>> -> memref<128x1x64xf32, #tpu.memory_space<hbm>>
        %dma_wait3A_431 = tpu.memref_squeeze %dma_wait3A_430 : memref<128x1x64xf32, #tpu.memory_space<hbm>> -> memref<128x64xf32, #tpu.memory_space<hbm>>
        tpu.wait_dma2 semaphore(%arg16 : memref<!tpu.dma_semaphore, #tpu.memory_space<semaphore_mem>>) src(%arg8 : memref<128x64xf32, #tpu.memory_space<vmem>>) dst(%dma_wait3A_431 : memref<128x64xf32, #tpu.memory_space<hbm>>)
        %add3A_432 = arith.constant 4 : i32
        %add3A_433 = arith.addi %mul3A_70, %add3A_432 : i32
        %add3A_434 = arith.constant 2 : i32
        %add3A_435 = arith.addi %add3A_433, %add3A_434 : i32
        %jit3A_436 = arith.constant 8 : i32
        %div3A_437 = arith.divsi %add3A_435, %jit3A_436 : i32
        %sign3A_438 = arith.constant 0 : i32
        %sign3A_439 = arith.cmpi sgt, %add3A_435, %sign3A_438 : i32
        %sign3A_440 = arith.extui %sign3A_439 : i1 to i32
        %sign3A_441 = arith.constant 0 : i32
        %sign3A_442 = arith.cmpi slt, %add3A_435, %sign3A_441 : i32
        %sign3A_443 = arith.extui %sign3A_442 : i1 to i32
        %sign3A_444 = arith.subi %sign3A_440, %sign3A_443 : i32
        %sign3A_445 = arith.constant 0 : i32
        %sign3A_446 = arith.cmpi sgt, %jit3A_436, %sign3A_445 : i32
        %sign3A_447 = arith.extui %sign3A_446 : i1 to i32
        %sign3A_448 = arith.constant 0 : i32
        %sign3A_449 = arith.cmpi slt, %jit3A_436, %sign3A_448 : i32
        %sign3A_450 = arith.extui %sign3A_449 : i1 to i32
        %sign3A_451 = arith.subi %sign3A_447, %sign3A_450 : i32
        %ne3A_452 = arith.cmpi ne, %sign3A_444, %sign3A_451 : i32
        %rem3A_453 = arith.remsi %add3A_435, %jit3A_436 : i32
        %ne3A_454 = arith.constant 0 : i32
        %ne3A_455 = arith.cmpi ne, %rem3A_453, %ne3A_454 : i32
        %and3A_456 = arith.andi %ne3A_452, %ne3A_455 : i1
        %sub3A_457 = arith.constant 1 : i32
        %sub3A_458 = arith.subi %div3A_437, %sub3A_457 : i32
        %select_n3A_459 = arith.select %and3A_456, %sub3A_458, %div3A_437 : i32
        %jit3A_460 = arith.constant 8 : i32
        %eq3A_461 = arith.constant 0 : i32
        %eq3A_462 = arith.cmpi eq, %jit3A_460, %eq3A_461 : i32
        %jit3A_463 = arith.constant 1 : i32
        %select_n3A_464 = arith.select %eq3A_462, %jit3A_463, %jit3A_460 : i32
        %rem3A_465 = arith.remsi %add3A_435, %select_n3A_464 : i32
        %ne3A_466 = arith.constant 0 : i32
        %ne3A_467 = arith.cmpi ne, %rem3A_465, %ne3A_466 : i32
        %lt3A_468 = arith.constant 0 : i32
        %lt3A_469 = arith.cmpi slt, %rem3A_465, %lt3A_468 : i32
        %lt3A_470 = arith.constant 0 : i32
        %lt3A_471 = arith.cmpi slt, %select_n3A_464, %lt3A_470 : i32
        %ne3A_472 = arith.xori %lt3A_469, %lt3A_471 : i1
        %and3A_473 = arith.andi %ne3A_472, %ne3A_467 : i1
        %add3A_474 = arith.addi %rem3A_465, %select_n3A_464 : i32
        %select_n3A_475 = arith.select %and3A_473, %add3A_474, %rem3A_465 : i32
        %mul3A_476 = arith.constant 128 : i32
        %mul3A_477 = arith.muli %select_n3A_475, %mul3A_476 : i32
        %dma_start3A_478 = tpu.memref_slice %arg5[%select_n3A_459, %mul3A_477] : memref<25x1024xi32, #tpu.memory_space<vmem>> -> memref<1x128xi32, #tpu.memory_space<vmem>>
        %dma_start3A_479 = tpu.memref_squeeze %dma_start3A_478 : memref<1x128xi32, #tpu.memory_space<vmem>> -> memref<128xi32, #tpu.memory_space<vmem>>
        %dma_start3A_480 = arith.constant 0 : i32
        %dma_start3A_481 = arith.constant 0 : i32
        %dma_start3A_482 = tpu.memref_slice %arg2[%dma_start3A_480, %dma_start3A_481] : memref<2000000x64xf32, #tpu.memory_space<hbm>> -> memref<2000000x64xf32, #tpu.memory_space<hbm>>
        tpu.enqueue_indirect_dma source(%dma_start3A_482 : memref<2000000x64xf32, #tpu.memory_space<hbm>>) target(%arg8 : memref<128x64xf32, #tpu.memory_space<vmem>>) offsets(%dma_start3A_479 : memref<128xi32, #tpu.memory_space<vmem>>) semaphore(%arg12 : memref<!tpu.dma_semaphore, #tpu.memory_space<semaphore_mem>>)
        %add3A_483 = arith.constant 3 : i32
        %add3A_484 = arith.addi %mul3A_70, %add3A_483 : i32
        %mul3A_485 = arith.constant 128 : i32
        %mul3A_486 = arith.muli %add3A, %mul3A_485 : i32
        %dma_wait3A_487 = arith.constant 0 : i32
        %dma_wait3A_488 = tpu.memref_slice %arg4[%mul3A_486, %add3A_484, %dma_wait3A_487] : memref<4096x200x128xf32, #tpu.memory_space<hbm>> -> memref<128x1x64xf32, #tpu.memory_space<hbm>>
        %dma_wait3A_489 = tpu.memref_squeeze %dma_wait3A_488 : memref<128x1x64xf32, #tpu.memory_space<hbm>> -> memref<128x64xf32, #tpu.memory_space<hbm>>
        %dma_wait3A_490 = arith.constant 0 : i32
        %dma_wait3A_491 = tpu.memref_slice %arg4[%mul3A_486, %add3A_484, %dma_wait3A_490] : memref<4096x200x128xf32, #tpu.memory_space<hbm>> -> memref<128x1x64xf32, #tpu.memory_space<hbm>>
        %dma_wait3A_492 = tpu.memref_squeeze %dma_wait3A_491 : memref<128x1x64xf32, #tpu.memory_space<hbm>> -> memref<128x64xf32, #tpu.memory_space<hbm>>
        tpu.wait_dma2 semaphore(%arg17 : memref<!tpu.dma_semaphore, #tpu.memory_space<semaphore_mem>>) src(%arg9 : memref<128x64xf32, #tpu.memory_space<vmem>>) dst(%dma_wait3A_492 : memref<128x64xf32, #tpu.memory_space<hbm>>)
        %add3A_493 = arith.constant 4 : i32
        %add3A_494 = arith.addi %mul3A_70, %add3A_493 : i32
        %add3A_495 = arith.constant 3 : i32
        %add3A_496 = arith.addi %add3A_494, %add3A_495 : i32
        %jit3A_497 = arith.constant 8 : i32
        %div3A_498 = arith.divsi %add3A_496, %jit3A_497 : i32
        %sign3A_499 = arith.constant 0 : i32
        %sign3A_500 = arith.cmpi sgt, %add3A_496, %sign3A_499 : i32
        %sign3A_501 = arith.extui %sign3A_500 : i1 to i32
        %sign3A_502 = arith.constant 0 : i32
        %sign3A_503 = arith.cmpi slt, %add3A_496, %sign3A_502 : i32
        %sign3A_504 = arith.extui %sign3A_503 : i1 to i32
        %sign3A_505 = arith.subi %sign3A_501, %sign3A_504 : i32
        %sign3A_506 = arith.constant 0 : i32
        %sign3A_507 = arith.cmpi sgt, %jit3A_497, %sign3A_506 : i32
        %sign3A_508 = arith.extui %sign3A_507 : i1 to i32
        %sign3A_509 = arith.constant 0 : i32
        %sign3A_510 = arith.cmpi slt, %jit3A_497, %sign3A_509 : i32
        %sign3A_511 = arith.extui %sign3A_510 : i1 to i32
        %sign3A_512 = arith.subi %sign3A_508, %sign3A_511 : i32
        %ne3A_513 = arith.cmpi ne, %sign3A_505, %sign3A_512 : i32
        %rem3A_514 = arith.remsi %add3A_496, %jit3A_497 : i32
        %ne3A_515 = arith.constant 0 : i32
        %ne3A_516 = arith.cmpi ne, %rem3A_514, %ne3A_515 : i32
        %and3A_517 = arith.andi %ne3A_513, %ne3A_516 : i1
        %sub3A_518 = arith.constant 1 : i32
        %sub3A_519 = arith.subi %div3A_498, %sub3A_518 : i32
        %select_n3A_520 = arith.select %and3A_517, %sub3A_519, %div3A_498 : i32
        %jit3A_521 = arith.constant 8 : i32
        %eq3A_522 = arith.constant 0 : i32
        %eq3A_523 = arith.cmpi eq, %jit3A_521, %eq3A_522 : i32
        %jit3A_524 = arith.constant 1 : i32
        %select_n3A_525 = arith.select %eq3A_523, %jit3A_524, %jit3A_521 : i32
        %rem3A_526 = arith.remsi %add3A_496, %select_n3A_525 : i32
        %ne3A_527 = arith.constant 0 : i32
        %ne3A_528 = arith.cmpi ne, %rem3A_526, %ne3A_527 : i32
        %lt3A_529 = arith.constant 0 : i32
        %lt3A_530 = arith.cmpi slt, %rem3A_526, %lt3A_529 : i32
        %lt3A_531 = arith.constant 0 : i32
        %lt3A_532 = arith.cmpi slt, %select_n3A_525, %lt3A_531 : i32
        %ne3A_533 = arith.xori %lt3A_530, %lt3A_532 : i1
        %and3A_534 = arith.andi %ne3A_533, %ne3A_528 : i1
        %add3A_535 = arith.addi %rem3A_526, %select_n3A_525 : i32
        %select_n3A_536 = arith.select %and3A_534, %add3A_535, %rem3A_526 : i32
        %mul3A_537 = arith.constant 128 : i32
        %mul3A_538 = arith.muli %select_n3A_536, %mul3A_537 : i32
        %dma_start3A_539 = tpu.memref_slice %arg5[%select_n3A_520, %mul3A_538] : memref<25x1024xi32, #tpu.memory_space<vmem>> -> memref<1x128xi32, #tpu.memory_space<vmem>>
        %dma_start3A_540 = tpu.memref_squeeze %dma_start3A_539 : memref<1x128xi32, #tpu.memory_space<vmem>> -> memref<128xi32, #tpu.memory_space<vmem>>
        %dma_start3A_541 = arith.constant 0 : i32
        %dma_start3A_542 = arith.constant 0 : i32
        %dma_start3A_543 = tpu.memref_slice %arg2[%dma_start3A_541, %dma_start3A_542] : memref<2000000x64xf32, #tpu.memory_space<hbm>> -> memref<2000000x64xf32, #tpu.memory_space<hbm>>
        tpu.enqueue_indirect_dma source(%dma_start3A_543 : memref<2000000x64xf32, #tpu.memory_space<hbm>>) target(%arg9 : memref<128x64xf32, #tpu.memory_space<vmem>>) offsets(%dma_start3A_540 : memref<128xi32, #tpu.memory_space<vmem>>) semaphore(%arg13 : memref<!tpu.dma_semaphore, #tpu.memory_space<semaphore_mem>>)
      } else {
      }
    }
    %scan3A_32 = arith.constant 50 : i32
    %mul3A_33 = arith.constant 128 : i32
    %mul3A_34 = arith.muli %add3A, %mul3A_33 : i32
    %dma_wait3A = arith.constant 196 : i32
    %dma_wait3A_35 = arith.constant 0 : i32
    %dma_wait3A_36 = tpu.memref_slice %arg4[%mul3A_34, %dma_wait3A, %dma_wait3A_35] : memref<4096x200x128xf32, #tpu.memory_space<hbm>> -> memref<128x1x64xf32, #tpu.memory_space<hbm>>
    %dma_wait3A_37 = tpu.memref_squeeze %dma_wait3A_36 : memref<128x1x64xf32, #tpu.memory_space<hbm>> -> memref<128x64xf32, #tpu.memory_space<hbm>>
    %dma_wait3A_38 = arith.constant 0 : i32
    %dma_wait3A_39 = tpu.memref_slice %arg4[%mul3A_34, %dma_wait3A, %dma_wait3A_38] : memref<4096x200x128xf32, #tpu.memory_space<hbm>> -> memref<128x1x64xf32, #tpu.memory_space<hbm>>
    %dma_wait3A_40 = tpu.memref_squeeze %dma_wait3A_39 : memref<128x1x64xf32, #tpu.memory_space<hbm>> -> memref<128x64xf32, #tpu.memory_space<hbm>>
    tpu.wait_dma2 semaphore(%arg14 : memref<!tpu.dma_semaphore, #tpu.memory_space<semaphore_mem>>) src(%arg6 : memref<128x64xf32, #tpu.memory_space<vmem>>) dst(%dma_wait3A_40 : memref<128x64xf32, #tpu.memory_space<hbm>>)
    %mul3A_41 = arith.constant 128 : i32
    %mul3A_42 = arith.muli %add3A, %mul3A_41 : i32
    %dma_wait3A_43 = arith.constant 197 : i32
    %dma_wait3A_44 = arith.constant 0 : i32
    %dma_wait3A_45 = tpu.memref_slice %arg4[%mul3A_42, %dma_wait3A_43, %dma_wait3A_44] : memref<4096x200x128xf32, #tpu.memory_space<hbm>> -> memref<128x1x64xf32, #tpu.memory_space<hbm>>
    %dma_wait3A_46 = tpu.memref_squeeze %dma_wait3A_45 : memref<128x1x64xf32, #tpu.memory_space<hbm>> -> memref<128x64xf32, #tpu.memory_space<hbm>>
    %dma_wait3A_47 = arith.constant 0 : i32
    %dma_wait3A_48 = tpu.memref_slice %arg4[%mul3A_42, %dma_wait3A_43, %dma_wait3A_47] : memref<4096x200x128xf32, #tpu.memory_space<hbm>> -> memref<128x1x64xf32, #tpu.memory_space<hbm>>
    %dma_wait3A_49 = tpu.memref_squeeze %dma_wait3A_48 : memref<128x1x64xf32, #tpu.memory_space<hbm>> -> memref<128x64xf32, #tpu.memory_space<hbm>>
    tpu.wait_dma2 semaphore(%arg15 : memref<!tpu.dma_semaphore, #tpu.memory_space<semaphore_mem>>) src(%arg7 : memref<128x64xf32, #tpu.memory_space<vmem>>) dst(%dma_wait3A_49 : memref<128x64xf32, #tpu.memory_space<hbm>>)
    %mul3A_50 = arith.constant 128 : i32
    %mul3A_51 = arith.muli %add3A, %mul3A_50 : i32
    %dma_wait3A_52 = arith.constant 198 : i32
    %dma_wait3A_53 = arith.constant 0 : i32
    %dma_wait3A_54 = tpu.memref_slice %arg4[%mul3A_51, %dma_wait3A_52, %dma_wait3A_53] : memref<4096x200x128xf32, #tpu.memory_space<hbm>> -> memref<128x1x64xf32, #tpu.memory_space<hbm>>
    %dma_wait3A_55 = tpu.memref_squeeze %dma_wait3A_54 : memref<128x1x64xf32, #tpu.memory_space<hbm>> -> memref<128x64xf32, #tpu.memory_space<hbm>>
    %dma_wait3A_56 = arith.constant 0 : i32
    %dma_wait3A_57 = tpu.memref_slice %arg4[%mul3A_51, %dma_wait3A_52, %dma_wait3A_56] : memref<4096x200x128xf32, #tpu.memory_space<hbm>> -> memref<128x1x64xf32, #tpu.memory_space<hbm>>
    %dma_wait3A_58 = tpu.memref_squeeze %dma_wait3A_57 : memref<128x1x64xf32, #tpu.memory_space<hbm>> -> memref<128x64xf32, #tpu.memory_space<hbm>>
    tpu.wait_dma2 semaphore(%arg16 : memref<!tpu.dma_semaphore, #tpu.memory_space<semaphore_mem>>) src(%arg8 : memref<128x64xf32, #tpu.memory_space<vmem>>) dst(%dma_wait3A_58 : memref<128x64xf32, #tpu.memory_space<hbm>>)
    %mul3A_59 = arith.constant 128 : i32
    %mul3A_60 = arith.muli %add3A, %mul3A_59 : i32
    %dma_wait3A_61 = arith.constant 199 : i32
    %dma_wait3A_62 = arith.constant 0 : i32
    %dma_wait3A_63 = tpu.memref_slice %arg4[%mul3A_60, %dma_wait3A_61, %dma_wait3A_62] : memref<4096x200x128xf32, #tpu.memory_space<hbm>> -> memref<128x1x64xf32, #tpu.memory_space<hbm>>
    %dma_wait3A_64 = tpu.memref_squeeze %dma_wait3A_63 : memref<128x1x64xf32, #tpu.memory_space<hbm>> -> memref<128x64xf32, #tpu.memory_space<hbm>>
    %dma_wait3A_65 = arith.constant 0 : i32
    %dma_wait3A_66 = tpu.memref_slice %arg4[%mul3A_60, %dma_wait3A_61, %dma_wait3A_65] : memref<4096x200x128xf32, #tpu.memory_space<hbm>> -> memref<128x1x64xf32, #tpu.memory_space<hbm>>
    %dma_wait3A_67 = tpu.memref_squeeze %dma_wait3A_66 : memref<128x1x64xf32, #tpu.memory_space<hbm>> -> memref<128x64xf32, #tpu.memory_space<hbm>>
    tpu.wait_dma2 semaphore(%arg17 : memref<!tpu.dma_semaphore, #tpu.memory_space<semaphore_mem>>) src(%arg9 : memref<128x64xf32, #tpu.memory_space<vmem>>) dst(%dma_wait3A_67 : memref<128x64xf32, #tpu.memory_space<hbm>>)
    return
  }
}

module attributes {stable_mosaic.version = 14 : i64} {
  func.func @body(%arg0: i32, %arg1: memref<64x8192xf32, #tpu.memory_space<vmem>>, %arg2: memref<8192x128xf32, #tpu.memory_space<vmem>>) attributes {dimension_semantics = [#tpu.dimension_semantics<parallel>], iteration_bounds = array<i64: 123>, scalar_prefetch = 0 : i64, scratch_operands = 0 : i64, tpu.core_type = #tpu.core_type<tc>, window_params = [{transform_indices = @transform_0, window_bounds = array<i64: 64, 8192>}, {transform_indices = @transform_1, window_bounds = array<i64: 8192, 128>}]} {
    %get3A = arith.constant 0 : index
    %get3A_0 = arith.constant 0 : index
    %get3A_1 = vector.load %arg1[%get3A, %get3A_0] : memref<64x8192xf32, #tpu.memory_space<vmem>>, vector<64x8192xf32>
    %transpose3A = tpu.transpose %get3A_1, [1, 0] : vector<64x8192xf32> -> vector<8192x64xf32>
    %concatenate3A = tpu.concatenate %transpose3A, %transpose3A in 1 : vector<8192x64xf32>, vector<8192x64xf32> -> vector<8192x128xf32>
    %swap3A = arith.constant 0 : index
    %swap3A_2 = arith.constant 0 : index
    %swap3A_3 = vector.load %arg2[%swap3A, %swap3A_2] : memref<8192x128xf32, #tpu.memory_space<vmem>>, vector<8192x128xf32>
    tpu.vector_store %arg2[%swap3A, %swap3A_2], %concatenate3A {strides = array<i32>} : memref<8192x128xf32, #tpu.memory_space<vmem>>, vector<8192x128xf32>,
    return
  }
  func.func @transform_0(%arg0: i32) -> (i32, i32) {
    %c0_i32 = arith.constant 0 : i32
    %c0_i32_0 = arith.constant 0 : i32
    return %c0_i32, %arg0 : i32, i32
  }
  func.func @transform_1(%arg0: i32) -> (i32, i32) {
    %c0_i32 = arith.constant 0 : i32
    %c0_i32_0 = arith.constant 0 : i32
    return %arg0, %c0_i32 : i32, i32
  }
}

</mosaic_0001>

<sc_bundles>
// kernel: kernel.4.cloned.1.call-start
scs
__scs_entry_jumppad:
0x0: {  	(pc) =	sbr.rel $0x88, $3  }
0x1: {  	(tag) =	ssettag $0x0;
	lr =	simm.s32 $0x1  }
0x2: {  	[smem:$0x3F9F] =	sst lr;
	_ =	strace $0xD0000000  }
0x3: {  	_ = 	snop  }
0x4: {  	_ = 	snop  }
0x5: {  	_ = 	snop  }
0x6: {  	_ = 	snop  }
0x7: {  	_ = 	snop  }
__scs_overlays_trampoline_lowered:
0x8: {  	[smem:$0x3FAE] =	sst s0  }
0x9: {  	[smem:$0x3FAF] =	sst s1  }
0xa: {  	[smem:$0x3FB0] =	sst s2  }
0xb: {  	[smem:$0x3FB1] =	sst s3  }
0xc: {  	[smem:$0x3FB2] =	sst s4  }
0xd: {  	[smem:$0x3FB3] =	sst s5  }
0xe: {  	[smem:$0x3FB4] =	sst s6  }
0xf: {  	[smem:$0x3FB5] =	sst s7  }
0x10: {  	[smem:$0x3FB6] =	sst s8  }
0x11: {  	[smem:$0x3FB7] =	sst s9;
	s0 =	simm.s32 @!p0 $0x0  }
0x12: {  	s1 =	sld [smem:$0x3F9D];
	s0 =	simm.s32 @p0 $0x1  }
0x13: {  	[smem:$0x3FB8] =	sst s0;
	s0 =	simm.s32 @!p1 $0x0  }
0x14: {  	s2 =	sld [smem:$0x3F9C];
	s0 =	simm.s32 @p1 $0x1  }
0x15: {  	[smem:$0x3FB9] =	sst s0;
	s0 =	simm.s32 @!p2 $0x0  }
0x16: {  	s3 =	sld [smem:$0x3FDB];
	s0 =	simm.s32 @p2 $0x1  }
0x17: {  	s4 =	simm.s32 $0x1BF5;
	[smem:$0x3FBB] =	sst s0  }
0x18: {  	s0 =	sld [smem:$0x3F9E];
	_ =	swait.ge [sflag:s4], $0x0  }
0x19: {  	s7 =	sld [smem:$0x3F9F]  }
0x1a: {  	s8 =	sadd.s32 $0xFFFFE003, lr  }
0x1b: {  	s9 =	sadd.s32 $0xFFFFFEF7, lr;
	s5 =	simm.s32 $0xFFFFFFFF;
	p2 =	slt.u32 s8, $0xFFFFF086  }
0x1c: {  	p1 =	slt.u32 s9, $0xF7A;
	s5 =	simm.s32 @!p2 $0x0  }
0x1d: {  	s5 =	simm.s32 @p1 $0x1;
	p0 =	seq.s32 s7, s2  }
0x1e: {  	s7 =	smul.u32 @!p0 $0xF7A, s2;
	p2 =	seq.s32 @!p0 s5, $0x0  }
0x1f: {  	s9 =	smul.u32 $0xF7A, s1;
	s8 =	simm.s32 @!p0 $0x1BF5;
	p2 =	por !p2, p0  }
0x20: {  	[sflag:s8] =	ssyncset.s32 @!p0 $0xFFFFF086;
	s6 =	sadd.s32 @!p0 s3, s7;
	s7 =	simm.s32 @!p0 $0x108  }
0x21: {  	s3 =	sadd.s32 s3, s9;
	s6 =	sadd.s32 @!p0 $0x88, s6;
	s7 =	simm.s32 @p2 $0x1082  }
0x22: {  	[simem:s7], [sflag:s8] =	dma.local @!p0 [hbm:s6], $0xF7A  }
0x23: {  	s9 =	sor.u32 $0xD0000000, s2;
	s6 =	simm.s32 $0x108;
	_ =	swait.ge @!p0 [sflag:s8], $0x0  }
0x24: {  	s3 =	sadd.s32 $0x88, s3;
	s6 =	simm.s32 @!p1 $0x1082;
	[sflag:s4] =	ssyncset.s32 $0xFFFFF086  }
0x25: {  	[simem:s6], [sflag:s4] =	dma.local [hbm:s3], $0xF7A  }
0x26: {  	[smem:$0x3F9F] =	sst s1;
	(tag) =	ssettag s2;
	_ =	strace s9  }
0x27: {  	s1 =	sld [smem:$0x3FAF]  }
0x28: {  	s2 =	sld [smem:$0x3FB0]  }
0x29: {  	s4 =	sld [smem:$0x3FB2]  }
0x2a: {  	p0 =	seq.s32 s5, $0x0;
	s5 =	sld [smem:$0x3FB3]  }
0x2b: {  	s6 =	sld [smem:$0x3FB4]  }
0x2c: {  	s7 =	sld [smem:$0x3FB5]  }
0x2d: {  	s3 =	simm.s32 $0x108;
	s8 =	sld [smem:$0x3FB6]  }
0x2e: {  	s3 =	simm.s32 @!p0 $0x1082;
	s9 =	sld [smem:$0x3FB7]  }
0x2f: {  	lr =	sadd.s32 s0, s3;
	s0 =	sld [smem:$0x3FAE]  }
0x30: {  	s3 =	sld [smem:$0x3FB1]  }
0x31: {  	[smem:$0x3FBA] =	sst s10  }
0x32: {  	s10 =	sld [smem:$0x3FB8];
	_ =	sdelay $0x3  }
0x33: {  	p0 =	seq.s32 s10, $0x1;
	s10 =	sld [smem:$0x3FBA];
	_ =	sdelay $0x3  }
0x34: {  	[smem:$0x3FBA] =	sst s10  }
0x35: {  	s10 =	sld [smem:$0x3FB9];
	_ =	sdelay $0x3  }
0x36: {  	p1 =	seq.s32 s10, $0x1;
	s10 =	sld [smem:$0x3FBA];
	_ =	sdelay $0x3  }
0x37: {  	[smem:$0x3FBA] =	sst s10  }
0x38: {  	s10 =	sld [smem:$0x3FBB]  }
0x39: {  	_ = 	snop;
	(pc) =	sbr.ind lr, $3  }
0x3a: {  	_ = 	snop  }
0x3b: {  	_ = 	snop  }
0x3c: {  	p2 =	seq.s32 s10, $0x1;
	s10 =	sld [smem:$0x3FBA]  }
0x3d: {  	_ =	shalt  }
0x3e: {  	_ =	shalt  }
0x3f: {  	_ =	shalt  }
0x40: {  	_ =	shalt  }
0x41: {  	_ =	shalt  }
0x42: {  	_ =	shalt  }
0x43: {  	_ =	shalt  }
0x44: {  	_ =	shalt  }
0x45: {  	_ =	shalt  }
0x46: {  	_ =	shalt  }
0x47: {  	_ =	shalt  }
0x48: {  	_ =	shalt  }
0x49: {  	_ =	shalt  }
0x4a: {  	_ =	shalt  }
0x4b: {  	_ =	shalt  }
0x4c: {  	_ =	shalt  }
0x4d: {  	_ =	shalt  }
0x4e: {  	_ =	shalt  }
0x4f: {  	_ =	shalt  }
0x50: {  	_ =	shalt  }
0x51: {  	_ =	shalt  }
0x52: {  	_ =	shalt  }
0x53: {  	_ =	shalt  }
0x54: {  	_ =	shalt  }
0x55: {  	_ =	shalt  }
0x56: {  	_ =	shalt  }
0x57: {  	_ =	shalt  }
0x58: {  	_ =	shalt  }
0x59: {  	_ =	shalt  }
0x5a: {  	_ =	shalt  }
0x5b: {  	_ =	shalt  }
0x5c: {  	_ =	shalt  }
0x5d: {  	_ =	shalt  }
0x5e: {  	_ =	shalt  }
0x5f: {  	_ =	shalt  }
0x60: {  	_ =	shalt  }
0x61: {  	_ =	shalt  }
0x62: {  	_ =	shalt  }
0x63: {  	_ =	shalt  }
0x64: {  	_ =	shalt  }
0x65: {  	_ =	shalt  }
0x66: {  	_ =	shalt  }
0x67: {  	_ =	shalt  }
0x68: {  	_ =	shalt  }
0x69: {  	_ =	shalt  }
0x6a: {  	_ =	shalt  }
0x6b: {  	_ =	shalt  }
0x6c: {  	_ =	shalt  }
0x6d: {  	_ =	shalt  }
0x6e: {  	_ =	shalt  }
0x6f: {  	_ =	shalt  }
0x70: {  	_ =	shalt  }
0x71: {  	_ =	shalt  }
0x72: {  	_ =	shalt  }
0x73: {  	_ =	shalt  }
0x74: {  	_ =	shalt  }
0x75: {  	_ =	shalt  }
0x76: {  	_ =	shalt  }
0x77: {  	_ =	shalt  }
0x78: {  	_ =	shalt  }
0x79: {  	_ =	shalt  }
0x7a: {  	_ =	shalt  }
0x7b: {  	_ =	shalt  }
0x7c: {  	_ =	shalt  }
0x7d: {  	_ =	shalt  }
0x7e: {  	_ =	shalt  }
0x7f: {  	_ =	shalt  }
0x80: {  	_ =	shalt  }
0x81: {  	_ =	shalt  }
0x82: {  	_ =	shalt  }
0x83: {  	_ =	shalt  }
0x84: {  	_ =	shalt  }
0x85: {  	_ =	shalt  }
0x86: {  	_ =	shalt  }
0x87: {  	_ =	shalt  }
.Lfunc_end0:
.L_simem_size_0:
called_computation.1_lowered:
.L_overlay_start_0:
0x88: {  	s2 =	sld [smem:$0x3FD9]  }
0x89: {  	s3 =	sld [smem:$0x3FFE];
	_ =	sdelay $0x1  }
0x8a: {  	s1 =	srdreg.scid  }
0x8b: {  	s0 =	sand.u32 $0x1, s1  }
0x8c: {  	s17 =	sshll.u32 s0, $0xA;
	s2 =	sadd.s32 s3, s2  }
0x8d: {  	s2 =	sadd.s32 s2, s17  }
0x8e: {  	[smem:$0x3FC6] =	sst s2  }
0x8f: {  	_ = 	snop  }
0x90: {  	s2 =	sld [smem:$0x3FD0];
	(tm) =	ssettm $0x1  }
0x91: {  	s18 =	sld [smem:$0x3FFB];
	_ =	sdelay $0x3  }
0x92: {  	_ =	strace s18  }
0x93: {  	s3 =	sld [smem:$0x3FFC];
	_ =	sdelay $0x3  }
0x94: {  	_ =	strace s3  }
0x95: {  	s3 =	sld [smem:$0x3FFD];
	_ =	sdelay $0x3  }
0x96: {  	_ =	strace s3  }
0x97: {  	_ =	strace $0x8FFFFFFF  }
0x98: {  	s19 =	sld [smem:$0x3FDB];
	_ =	sdelay $0x1  }
0x99: {  	s4 =	simm.s32 $_scs_section_size  }
0x9a: {  	s5 =	simm.s32 $_size__tile_overlayer_lowered;
	s6 =	simm.s32 $_tile_overlayer_lowered  }
0x9b: {  	s22 =	simm.s32 $0x1BFF;
	s21 =	sshll.u32 s6, $0x1;
	s3 =	sadd.s32 s4, s19  }
0x9c: {  	s7 =	simm.s32 $0x0;
	s20 =	sshll.u32 s5, $0x1;
	s5 =	sadd.s32 s21, s3  }
0x9d: {  	[timem:s7], [sflag:s22] =	dma.local [hbm:s5], s20  }
0x9e: {  	_ =	swait.ge [sflag:s22], s20  }
0x9f: {  	s4 =	ssub.s32 $0x0, s20;
	[sflag:s22] =	ssyncset.done $0x0  }
0xa0: {  	[sflag:s22] =	ssyncadd.s32 s4;
	_ =	sdelay $0x1  }
0xa1: {  	s23 =	simm.s32 $0x1B8B  }
0xa2: {  	_ =	swait.ge [sflag:s23], $0x1  }
0xa3: {  	[sflag:s23] =	ssyncset.done $0x0  }
0xa4: {  	s25 =	simm.s32 $0x1B8E;
	s24 =	sld [smem:$0x3FFE];
	[sflag:s23] =	ssyncadd.s32 $0xFFFFFFFF  }
0xa5: {  	s26 =	simm.s32 $execute0_lowered;
	[smem:$0x3FD2] =	sst s25  }
0xa6: {  	s5 =	sshll.u32 s26, $0x1;
	_ =	strace $0x80000046;
	[dreg:$0x1] =	wrdreg $0xFFFFFFFF  }
0xa7: {  	s28 =	simm.s32 $_size_execute0_lowered;
	s3 =	sadd.s32 s3, s5;
	[dreg:$0x0] =	wrdreg $0x0  }
0xa8: {  	s5 =	sshll.u32 s28, $0x1;
	[dreg:$0x2] =	wrdreg s3  }
0xa9: {  	[dreg:$0x3] =	wrdreg s5  }
0xaa: {  	[dreg:$0x4] =	wrdreg $0xC0  }
0xab: {  	_ =	task [dreg:s7], $0x5FFFF  }
0xac: {  	[dreg:$0x1] =	wrdreg $0xFFFFFFFF  }
0xad: {  	[dreg:$0x0] =	wrdreg $0x60  }
0xae: {  	[dreg:$0x2] =	wrdreg s24  }
0xaf: {  	[dreg:$0x3] =	wrdreg s2  }
0xb0: {  	[dreg:$0x4] =	wrdreg $0x9  }
0xb1: {  	_ =	task.clear_ibuf [dreg:s7], $0x5FFFF;
	_ =	strace $0x90000046  }
0xb2: {  	s29 =	simm.s32 $0x9;
	_ =	strace $0x80000048  }
0xb3: {  	_ =	swait.ge [sflag:s29], $0x1  }
0xb4: {  	[sflag:s29] =	ssyncadd.s32 $0xFFFFFFFF  }
0xb5: {  	_ =	strace $0x90000048  }
0xb6: {  	_ =	sfence  }
0xb7: {  	s30 =	sld [smem:$0x0];
	_ =	sdelay $0x2  }
0xb8: {  	s31 =	sshll.u32 s1, $0xD;
	s1 =	sshrl.u32 s1, $0x2  }
0xb9: {  	s3 =	sand.u32 $0x4000, s31;
	s1 =	sadd.s32 s1, s30  }
0xba: {  	s0 =	sor.u32 s3, s0;
	s1 =	sshll.u32 s1, $0x11  }
0xbb: {  	s0 =	sor.u32 s1, s0  }
0xbc: {  	s0 =	sadd.s32 $0x8F2B, s0  }
0xbd: {  	[sflag:s0] =	ssyncadd.remote.s32 $0x1  }
0xbe: {  	_ =	sfence.sel $0xFFFF  }
0xbf: {  	[dreg:$0x0] =	wrdreg $0xFFFFFFFF;
	(pc) =	sbr.abs _section_cstart, $3  }
0xc0: {  	[dreg:$0x1] =	wrdreg $0xFFFFFFFF  }
0xc1: {  	_ =	task.clear_ibuf [dreg:s7], $0x2FFFF;
	_ =	strace $0x9FFFFFFF  }
0xc2: {  	(tm) =	ssettm $0x7FFFFFFF  }
0xc3: {  	_ =	shalt  }
tec
execute0_lowered:
.L_overlay_start_1:
0x0: {  	(tag) =	ssettag $0x1  }
0x1: {  	s0 =	rddreg [dreg:$0x0]  }
0x2: {  	s1 =	rddreg [dreg:$0x1];
	s2 =	simm.s32 $0x0;
	s4 =	srdreg.scid  }
0x3: {  	s21 =	stileid.u32;
	s12 =	simm.s32 $0x9;
	s13 =	simm.s32 $0x80  }
0x4: {  	s14 =	simm.s32 $0x6400;
	s15 =	simm.s32 $0x8400;
	s17 =	simm.s32 $0xA400  }
0x5: {  	s19 =	simm.s32 $0xC400;
	s20 =	simm.s32 $0x1;
	s28 =	simm.s32 $0x7  }
0x6: {  	s29 =	simm.s32 $0x8;
	s30 =	simm.s32 $0x0;
	[smem:$0x7FF] =	sst s2  }
0x7: {  	s3 =	sadd.s32 $0x800, s0;
	s4 =	sand.u32 $0x1, s4;
	s5 =	smul.u32 $0x640000, s21  }
0x8: {  	s0 =	sadd.s32 $0xF42C00, s0;
	s9 =	sshll.u32 s21, $0x8;
	s21 =	simm.s32 $0x40  }
0x9: {  	s6 =	ssub.s32 $0x2, s4;
	s7 =	smul.u32 $0x320000, s4;
	s4 =	sshll.u32 s4, $0x7  }
0xa: {  	_ =	strace $0x80000047;
	s8 =	sshrl.u32 s6, $0x1;
	s4 =	sor.u32 s4, s9  }
0xb: {  	s6 =	ssub.s32 s6, s8;
	s7 =	sadd.s32 s7, s5;
	s4 =	sadd.s32 s1, s4  }
0xc: {  	s5 =	smax.u32 s6, $0x1;
	s22 =	sor.u32 $0x180, s7;
	s23 =	sor.u32 $0x100, s7  }
.Ltmp0:
0xd: {  	s24 =	sor.u32 $0x80, s7;
	s31 =	sshrl.u32 s7, $0x3;
	(pc) =	sbr.rel .LBB2_1-.Ltmp0, $4  }
0xe: {  	s1 =	sshrl.u32 s22, $0x3;
	s25 =	sshrl.u32 s23, $0x3;
	s26 =	sshrl.u32 s24, $0x3  }
0xf: {  	s22 =	simm.s32 $0x2;
	s23 =	simm.s32 $0x3;
	s24 =	simm.s32 $0x4  }
0x10: {  	s16 =	sadd.s32 s1, s0;
	s11 =	sadd.s32 s25, s0;
	s10 =	sadd.s32 s26, s0  }
0x11: {  	s1 =	sadd.s32 s31, s0;
	s25 =	simm.s32 $0x5;
	s26 =	simm.s32 $0x6  }
.LBB2_4:
0x12: {  	_ =	swait.ge [sflag:s25], $0x2000  }
0x13: {  	[sflag:s25] =	ssyncset.done $0x0  }
0x14: {  	[sflag:s25] =	ssyncadd.s32 $0xFFFFE000  }
0x15: {  	_ =	swait.ge [sflag:s26], $0x2000  }
0x16: {  	[sflag:s26] =	ssyncset.done $0x0  }
0x17: {  	s30 =	sadd.s32 $0x1, s30;
	[sflag:s26] =	ssyncadd.s32 $0xFFFFE000  }
0x18: {  	p0 =	sne.s32 s30, s5;
	_ =	swait.ge [sflag:s28], $0x2000  }
.Ltmp1:
0x19: {  	[sflag:s28] =	ssyncset.done $0x0;
	(pc) =	sbr.rel @!p0 .LBB2_5-.Ltmp1, $4  }
0x1a: {  	[sflag:s28] =	ssyncadd.s32 $0xFFFFE000  }
0x1b: {  	_ =	swait.ge [sflag:s29], $0x2000  }
0x1c: {  	[sflag:s29] =	ssyncset.done $0x0  }
0x1d: {  	[sflag:s29] =	ssyncadd.s32 $0xFFFFE000  }
.LBB2_1:
0x1e: {  	s0 =	simm.s32 $0x0;
	s2 =	simm.s32 $0x400;
	s6 =	simm.s32 $0x8000  }
0x1f: {  	[tilespmem:s0], [sflag:$0x9] =	stream.strided.gather [hbm4b:s4+s2], $0x6400, s6, s2, $0x38;
	[tilespmem:$0xE400] =	vst v63  }
0x20: {  	_ =	swait.ge [sflag:s12], $0x6400  }
0x21: {  	[sflag:s12] =	ssyncset.done $0x0  }
0x22: {  	[sflag:s12] =	ssyncadd.s32 $0xFFFF9C00  }
0x23: {  	[tilespmem:s14], [sflag:$0x1] =	stream.indirect.gather [hbm4b:s3+s13], $0x40, s0, s13, $0xb8;
	[tilespmem:$0xE400] =	vst v63  }
0x24: {  	s9 =	simm.s32 $0x100;
	s18 =	simm.s32 $0x180  }
0x25: {  	[tilespmem:s15], [sflag:$0x2] =	stream.indirect.gather [hbm4b:s3+s13], $0x40, s13, s13, $0xb8;
	[tilespmem:$0xE400] =	vst v63  }
0x26: {  	s31 =	simm.s32 $0xE00;
	s8 =	smov.u32 s10;
	s7 =	smov.u32 s11  }
0x27: {  	[tilespmem:s17], [sflag:$0x3] =	stream.indirect.gather [hbm4b:s3+s13], $0x40, s9, s13, $0xb8;
	[tilespmem:$0xE400] =	vst v63  }
0x28: {  	s6 =	smov.u32 s16;
	s0 =	simm.s32 $0x380;
	s9 =	smov.u32 s1  }
0x29: {  	[tilespmem:s19], [sflag:$0x4] =	stream.indirect.gather [hbm4b:s3+s13], $0x40, s18, s13, $0xb8;
	[tilespmem:$0xE400] =	vst v63  }
.LBB2_2:
0x2a: {  	_ =	swait.ge [sflag:s20], $0x2000  }
0x2b: {  	[sflag:s20] =	ssyncset.done $0x0  }
0x2c: {  	[sflag:s20] =	ssyncadd.s32 $0xFFFFE000  }
0x2d: {  	[hbm4b:s9+s21] =	stream.strided.scatter [tilespmem:s14], [sflag:$0x5], $0x2000, s14, s21, $0x38;
	[tilespmem:$0xE400] =	vst v63  }
0x2e: {  	_ =	swait.ge [sflag:s22], $0x2000  }
0x2f: {  	[sflag:s22] =	ssyncset.done $0x0  }
0x30: {  	[sflag:s22] =	ssyncadd.s32 $0xFFFFE000  }
0x31: {  	[hbm4b:s8+s21] =	stream.strided.scatter [tilespmem:s15], [sflag:$0x6], $0x2000, s14, s21, $0x38;
	[tilespmem:$0xE400] =	vst v63  }
0x32: {  	_ =	swait.ge [sflag:s23], $0x2000  }
0x33: {  	[sflag:s23] =	ssyncset.done $0x0  }
0x34: {  	p0 =	seq.s32 s31, $0x19600;
	[sflag:s23] =	ssyncadd.s32 $0xFFFFE000  }
0x35: {  	[hbm4b:s7+s21] =	stream.strided.scatter [tilespmem:s17], [sflag:$0x7], $0x2000, s14, s21, $0x38;
	[tilespmem:$0xE400] =	vst v63  }
.Ltmp2:
0x36: {  	_ = 	snop;
	(pc) =	sbr.rel @p0 .LBB2_4-.Ltmp2, $4  }
0x37: {  	_ =	swait.ge [sflag:s24], $0x2000  }
0x38: {  	[sflag:s24] =	ssyncset.done $0x0  }
0x39: {  	[sflag:s24] =	ssyncadd.s32 $0xFFFFE000  }
0x3a: {  	[hbm4b:s6+s21] =	stream.strided.scatter [tilespmem:s19], [sflag:$0x8], $0x2000, s14, s21, $0x38;
	[tilespmem:$0xE400] =	vst v63  }
0x3b: {  	s18 =	sadd.s32 $0xFFFFFA00, s31  }
0x3c: {  	_ =	swait.ge [sflag:s25], $0x2000;
	s2 =	sadd.s32 $0xFFFFFE80, s0;
	s18 =	sand.u32 $0x3F000, s18  }
0x3d: {  	[sflag:s25] =	ssyncset.done $0x0;
	s2 =	sand.u32 $0x200, s2;
	s18 =	sshrl.u32 s18, $0x2  }
0x3e: {  	[sflag:s25] =	ssyncadd.s32 $0xFFFFE000;
	s2 =	sor.u32 s2, s18  }
0x3f: {  	[tilespmem:s14], [sflag:$0x1] =	stream.indirect.gather [hbm4b:s3+s13], $0x40, s2, s13, $0xb8;
	[tilespmem:$0xE400] =	vst v63  }
0x40: {  	s2 =	sadd.s32 $0xFFFFFC00, s31  }
0x41: {  	s18 =	sadd.s32 $0xFFFFFF00, s0;
	_ =	swait.ge [sflag:s26], $0x2000;
	s2 =	sand.u32 $0x3F000, s2  }
0x42: {  	s18 =	sand.u32 $0x280, s18;
	[sflag:s26] =	ssyncset.done $0x0;
	s2 =	sshrl.u32 s2, $0x2  }
0x43: {  	[sflag:s26] =	ssyncadd.s32 $0xFFFFE000;
	s2 =	sor.u32 s18, s2  }
0x44: {  	[tilespmem:s15], [sflag:$0x2] =	stream.indirect.gather [hbm4b:s3+s13], $0x40, s2, s13, $0xb8;
	[tilespmem:$0xE400] =	vst v63  }
0x45: {  	s6 =	sadd.s32 $0x40, s6;
	s2 =	sadd.s32 $0xFFFFFE00, s31  }
0x46: {  	s18 =	sadd.s32 $0xFFFFFF80, s0;
	_ =	swait.ge [sflag:s28], $0x2000;
	s2 =	sand.u32 $0x3F000, s2  }
0x47: {  	s18 =	sand.u32 $0x300, s18;
	[sflag:s28] =	ssyncset.done $0x0;
	s2 =	sshrl.u32 s2, $0x2  }
0x48: {  	s7 =	sadd.s32 $0x40, s7;
	[sflag:s28] =	ssyncadd.s32 $0xFFFFE000;
	s2 =	sor.u32 s18, s2  }
0x49: {  	[tilespmem:s17], [sflag:$0x3] =	stream.indirect.gather [hbm4b:s3+s13], $0x40, s2, s13, $0xb8;
	[tilespmem:$0xE400] =	vst v63  }
.Ltmp3:
0x4a: {  	s8 =	sadd.s32 $0x40, s8;
	s9 =	sadd.s32 $0x40, s9;
	(pc) =	sbr.rel .LBB2_2-.Ltmp3, $4  }
0x4b: {  	s18 =	sand.u32 $0x380, s0;
	s2 =	sand.u32 $0x3F000, s31;
	_ =	swait.ge [sflag:s29], $0x2000  }
0x4c: {  	s0 =	sadd.s32 $0x200, s0;
	s2 =	sshrl.u32 s2, $0x2;
	[sflag:s29] =	ssyncset.done $0x0  }
0x4d: {  	s31 =	sadd.s32 $0x800, s31;
	s2 =	sor.u32 s18, s2;
	[sflag:s29] =	ssyncadd.s32 $0xFFFFE000  }
0x4e: {  	[tilespmem:s19], [sflag:$0x4] =	stream.indirect.gather [hbm4b:s3+s13], $0x40, s2, s13, $0xb8;
	[tilespmem:$0xE400] =	vst v63  }
.LBB2_5:
0x4f: {  	_ =	sfence.sel $0x180000  }
0x50: {  	[bflag:$0x0] =	sbarrier.arrive $0xFFFF  }
0x51: {  	_ =	strace $0x90000047  }
0x52: {  	s0 =	stileid.u32;
	[bflag:$0x2] =	sbarrier.arrive $0xFFFF  }
0x53: {  	p0 =	sne.s32 s0, $0x0;
	s0 =	rddreg [dreg:$0x2]  }
0x54: {  	s0 =	sadd.s32 @!p0 $0x100000, s0  }
0x55: {  	[sflag:s0] =	ssyncadd.tile.s32 @!p0 $0x1;
	_ =	shalt  }
.Lfunc_end2:
_tile_overlayer_lowered:
.L_overlay_start_2:
0x56: {  	(tag) =	ssettag $0x2  }
0x57: {  	s0 =	rddreg [dreg:$0x0];
	s2 =	stileid.u32  }
0x58: {  	s1 =	rddreg [dreg:$0x1];
	p0 =	sne.s32 s2, $0x0  }
0x59: {  	s3 =	rddreg [dreg:$0x2];
	[bflag:$0x3] =	sbarrier.arrive $0xFFFF;
	s2 =	simm.s32 @!p0 $0x1C09  }
0x5a: {  	[timem:s3], [sflag:s2] =	dma.local @!p0 [hbm:s0], s1  }
0x5b: {  	s0 =	simm.s32 @!p0 $0x9  }
0x5c: {  	_ =	swait.ge @!p0 [sflag:s0], s1  }
0x5d: {  	s1 =	ssub.s32 @!p0 $0x0, s1;
	[sflag:s0] =	ssyncset.done @!p0 $0x0  }
0x5e: {  	[sflag:s0] =	ssyncadd.s32 @!p0 s1  }
0x5f: {  	[bflag:$0x3] =	sbarrier.arrive $0xFFFF  }
0x60: {  	_ =	shalt  }

// kernel: sparse-core-data-format-call.cloned.1.call-start
scs
called_computation_lowered:
.L_overlay_start_0:
0x0: {  	s2 =	sld [smem:$0x3FD9]  }
0x1: {  	s3 =	sld [smem:$0x3FFE];
	_ =	sdelay $0x1  }
0x2: {  	s1 =	srdreg.scid  }
0x3: {  	s0 =	sand.u32 $0x1, s1  }
0x4: {  	s18 =	sshll.u32 s0, $0xA;
	s2 =	sadd.s32 s3, s2  }
0x5: {  	s2 =	sadd.s32 s2, s18  }
0x6: {  	[smem:$0x3FC6] =	sst s2  }
0x7: {  	_ = 	snop  }
0x8: {  	s2 =	sld [smem:$0x3FD0];
	(tm) =	ssettm $0x1  }
0x9: {  	s19 =	sld [smem:$0x3FFB];
	_ =	sdelay $0x3  }
0xa: {  	_ =	strace s19  }
0xb: {  	s3 =	sld [smem:$0x3FFC];
	_ =	sdelay $0x3  }
0xc: {  	_ =	strace s3  }
0xd: {  	s3 =	sld [smem:$0x3FFD];
	_ =	sdelay $0x3  }
0xe: {  	_ =	strace s3  }
0xf: {  	_ =	strace $0x8FFFFFFF  }
0x10: {  	s20 =	sld [smem:$0x3FDB];
	_ =	sdelay $0x1  }
0x11: {  	s4 =	simm.s32 $_scs_section_size  }
0x12: {  	s5 =	simm.s32 $_size__tile_overlayer_lowered;
	s6 =	simm.s32 $_tile_overlayer_lowered  }
0x13: {  	s23 =	simm.s32 $0x1BFF;
	s22 =	sshll.u32 s6, $0x1;
	s3 =	sadd.s32 s4, s20  }
0x14: {  	s7 =	simm.s32 $0x0;
	s21 =	sshll.u32 s5, $0x1;
	s5 =	sadd.s32 s22, s3  }
0x15: {  	[timem:s7], [sflag:s23] =	dma.local [hbm:s5], s21  }
0x16: {  	_ =	swait.ge [sflag:s23], s21  }
0x17: {  	s4 =	ssub.s32 $0x0, s21;
	[sflag:s23] =	ssyncset.done $0x0  }
0x18: {  	[sflag:s23] =	ssyncadd.s32 s4;
	_ =	sdelay $0x1  }
0x19: {  	s24 =	simm.s32 $0x1B8B  }
0x1a: {  	_ =	swait.ge [sflag:s24], $0x1  }
0x1b: {  	[sflag:s24] =	ssyncset.done $0x0  }
0x1c: {  	s26 =	simm.s32 $0x1B8E;
	s25 =	sld [smem:$0x3FFE];
	[sflag:s24] =	ssyncadd.s32 $0xFFFFFFFF  }
0x1d: {  	s27 =	simm.s32 $execute0_lowered;
	[smem:$0x3FD2] =	sst s26  }
0x1e: {  	s5 =	sshll.u32 s27, $0x1;
	_ =	strace $0x80000049;
	[dreg:$0x1] =	wrdreg $0xFFFFFFFF  }
0x1f: {  	s28 =	simm.s32 $_size_execute0_lowered;
	s3 =	sadd.s32 s3, s5;
	[dreg:$0x0] =	wrdreg $0x0  }
0x20: {  	s5 =	sshll.u32 s28, $0x1;
	[dreg:$0x2] =	wrdreg s3  }
0x21: {  	[dreg:$0x3] =	wrdreg s5  }
0x22: {  	[dreg:$0x4] =	wrdreg $0xC0  }
0x23: {  	_ =	task [dreg:s7], $0x5FFFF  }
0x24: {  	[dreg:$0x1] =	wrdreg $0xFFFFFFFF  }
0x25: {  	[dreg:$0x0] =	wrdreg $0x60  }
0x26: {  	[dreg:$0x2] =	wrdreg s25  }
0x27: {  	[dreg:$0x3] =	wrdreg s2  }
0x28: {  	[dreg:$0x4] =	wrdreg $0x9  }
0x29: {  	_ =	task.clear_ibuf [dreg:s7], $0x5FFFF;
	_ =	strace $0x90000049  }
0x2a: {  	s29 =	simm.s32 $0x9;
	_ =	strace $0x8000004B  }
0x2b: {  	_ =	swait.ge [sflag:s29], $0x1  }
0x2c: {  	[sflag:s29] =	ssyncadd.s32 $0xFFFFFFFF  }
0x2d: {  	_ =	strace $0x9000004B  }
0x2e: {  	_ =	sfence  }
0x2f: {  	s30 =	sld [smem:$0x0];
	_ =	sdelay $0x2  }
0x30: {  	s31 =	sshll.u32 s1, $0xD;
	s1 =	sshrl.u32 s1, $0x2  }
0x31: {  	s3 =	sand.u32 $0x4000, s31;
	s1 =	sadd.s32 s1, s30  }
0x32: {  	s0 =	sor.u32 s3, s0;
	s1 =	sshll.u32 s1, $0x11  }
0x33: {  	s0 =	sor.u32 s1, s0  }
0x34: {  	s0 =	sadd.s32 $0x8F2B, s0  }
0x35: {  	[sflag:s0] =	ssyncadd.remote.s32 $0x1  }
0x36: {  	_ =	sfence.sel $0xFFFF  }
0x37: {  	[dreg:$0x0] =	wrdreg $0xFFFFFFFF;
	(pc) =	sbr.abs _section_cstart, $3  }
0x38: {  	[dreg:$0x1] =	wrdreg $0xFFFFFFFF  }
0x39: {  	_ =	task.clear_ibuf [dreg:s7], $0x2FFFF;
	_ =	strace $0x9FFFFFFF  }
0x3a: {  	(tm) =	ssettm $0x7FFFFFFF  }
0x3b: {  	_ =	shalt  }
tec
execute0_lowered:
.L_overlay_start_1:
0x0: {  	(tag) =	ssettag $0x1  }
0x1: {  	s0 =	srdreg.scid  }
0x2: {  	s1 =	sshll.u32 s0, $0x4  }
0x3: {  	s0 =	stileid.u32;
	s1 =	sand.u32 $0x10, s1  }
0x4: {  	s1 =	sor.u32 s0, s1  }
0x5: {  	s6 =	rddreg [dreg:$0x0];
	s4 =	simm.s32 $0x1;
	s2 =	sshll.u32 s1, $0x7  }
0x6: {  	s7 =	simm.s32 $0x2;
	s12 =	simm.s32 $0x0;
	s1 =	ssub.s32 $0x1000, s2  }
0x7: {  	s8 =	simm.s32 $0x8000;
	s13 =	simm.s32 $0x0;
	s3 =	sand.u32 $0xF80, s1  }
0x8: {  	s9 =	simm.s32 $0x0;
	s5 =	sshrl.u32 s1, $0xC;
	p0 =	sne.s32 s3, $0x0  }
.Ltmp0:
0x9: {  	s1 =	rddreg [dreg:$0x2];
	s4 =	simm.s32 @!p0 $0x0;
	(pc) =	sbr.rel .LBB1_1-.Ltmp0, $4  }
0xa: {  	s11 =	simm.s32 $0x0;
	s3 =	rddreg [dreg:$0x1];
	s5 =	sadd.s32 s4, s5  }
0xb: {  	_ =	strace $0x8000004A;
	s4 =	simm.s32 $0x1;
	s5 =	smul.u32 $0xC8, s5  }
0xc: {  	s6 =	sadd.s32 $0xF42C00, s6;
	s10 =	smov.u32 s2;
	[sflag:s4] =	ssyncpa.u1 $0x0  }
0xd: {  	p0 =	por $0x0, $0x0;
	[sflag:s7] =	ssyncpa.u1 $0x0;
	s7 =	sor.u32 $0x1, s5  }
.LBB1_4:
0xe: {  	s16 =	sshll.u32 s13, $0x3;
	s17 =	sand.u32 $0x78, s13  }
0xf: {  	s30 =	sand.u32 $0x7E00, s13;
	s12 =	sshll.u32 s12, $0xF;
	s16 =	sand.u32 $0xC00, s16  }
0x10: {  	[tilespmem:s15+$0x810 ss:$0x81] =	vst.msk $0xffff, v2;
	s31 =	sand.u32 $0x7, s13;
	s16 =	sor.u32 s17, s16;
	s17 =	sadd.s32 s3, s30  }
0x11: {  	[tilespmem:s15+$0x1020 ss:$0x81] =	vst.msk $0xffff, v0;
	s13 =	sshll.u32 s31, $0x12;
	s12 =	sadd.s32 s12, s17;
	s16 =	sshrl.u32 s16, $0x3  }
0x12: {  	[tilespmem:s15+$0x0 ss:$0x81] =	vst.msk $0xffff, v1;
	s13 =	sor.u32 $0x400, s13;
	s12 =	sadd.s32 s16, s12  }
0x13: {  	[hbm4b:s12+s13] =	stream.strided.scatter [tilespmem:s14], [sflag:$0x2], $0x2000, s8, s13, $0x20;
	[tilespmem:$0x8080] =	vst v63  }
.LBB1_5:
0x14: {  	s14 =	sadd.s32 $0x1, s9  }
0x15: {  	s12 =	sadd.s32 $0x1000, s10;
	s16 =	smov.u32 s10;
	p2 =	sgt.s32 s14, $0xC7  }
0x16: {  	s16 =	smov.u32 @p2 s12  }
0x17: {  	s14 =	simm.s32 @p2 $0x0;
	p2 =	sgt.s32 s16, $0xFFF  }
0x18: {  	s16 =	smov.u32 @p2 s2;
	p2 =	sne.s32 s11, s7  }
.Ltmp1:
0x19: {  	p1 =	slt.u32 s11, $0x2;
	(pc) =	sbr.rel @!p2 .LBB1_6-.Ltmp1, $4  }
0x1a: {  	s15 =	simm.s32 @!p1 $0x2  }
0x1b: {  	s13 =	smov.u32 s10;
	p0 =	por !p0, !p0;
	_ =	swait.ge @!p1 [sflag:s15], $0x2000  }
0x1c: {  	s12 =	smov.u32 s9;
	[sflag:s15] =	ssyncset.done @!p1 $0x0;
	s9 =	smov.u32 s14  }
0x1d: {  	s11 =	sadd.s32 $0x1, s11;
	[sflag:s15] =	ssyncadd.s32 @!p1 $0xFFFFE000;
	s10 =	smov.u32 s16  }
.LBB1_1:
0x1e: {  	p1 =	sge.u32 s11, s5  }
0x1f: {  	s14 =	sand.u32 @!p1 $0x1FFFFFF, s9  }
0x20: {  	s15 =	smulhi.u32 @!p1 $0x147AE15, s14;
	_ =	sdelay $0x1  }
0x21: {  	s15 =	smul.u32 @!p1 $0xC8, s15  }
0x22: {  	s16 =	sxor.u32 @!p1 $0xFFFFFFFF, s11;
	s17 =	smul.u32 @!p1 $0xC80, s10  }
0x23: {  	s31 =	sadd.s32 $0xFFFFFFFF, s11;
	s16 =	sshll.u32 @!p1 s16, $0xD;
	s14 =	ssub.s32 @!p1 s14, s15  }
0x24: {  	s15 =	sand.u32 @!p1 $0x2000, s16;
	s16 =	sadd.s32 @!p1 s6, s17;
	s14 =	sshll.u32 @!p1 s14, $0x4  }
0x25: {  	s17 =	simm.s32 @!p1 $0x6400;
	s14 =	sadd.s32 @!p1 s14, s16;
	s16 =	simm.s32 @!p1 $0x40  }
0x26: {  	[tilespmem:s15], [sflag:$0x1] =	stream.strided.gather @!p1 [hbm4b:s14+s16], $0x2000, s17, s16, $0x38;
	[tilespmem:$0x8080] =	vst v63  }
0x27: {  	p1 =	sge.u32 s31, s5  }
.Ltmp2:
0x28: {  	_ = 	snop;
	(pc) =	sbr.rel @p1 .LBB1_5-.Ltmp2, $1  }
0x29: {  	_ =	sdelay $0x3  }
0x2a: {  	s14 =	simm.s32 $0x1  }
0x2b: {  	_ =	swait.ge [sflag:s4], $0x2000;
	s14 =	simm.s32 @!p0 $0x0  }
0x2c: {  	[sflag:s4] =	ssyncset.done $0x0;
	s15 =	sshll.u32 s14, $0xD  }
0x2d: {  	[sflag:s4] =	ssyncadd.s32 $0xFFFFE000;
	s18 =	sor.u32 $0x20, s15  }
0x2e: {  	s14 =	smul.u32 $0x8100, s14;
	v3 =	vld [tilespmem:s18+$0x10]  }
0x2f: {  	s30 =	sand.u32 $0x1, s11;
	v2 =	vld [tilespmem:s18+$0xFFFFFFF0]  }
0x30: {  	s15 =	smul.u32 $0x8100, s30;
	s14 =	sshrl.u32 s14, $0x2;
	v0 =	vld [tilespmem:s18+$0x0]  }
0x31: {  	v1 =	vld [tilespmem:s18+$0xFFFFFFE0];
	s16 =	sor.u32 $0x4000, s14  }
0x32: {  	s31 =	sshrl.u32 s15, $0x2;
	s15 =	sadd.s32 $0x0, s16  }
0x33: {  	s17 =	simm.s32 $0x4;
	s18 =	sadd.s32 $0x40, s18;
	s14 =	sor.u32 $0x4000, s31;
	[tilespmem:s15+$0x1830 ss:$0x81] =	vst.msk $0xffff, v3  }
.LBB1_3:
0x34: {  	v3 =	vld [tilespmem:s18+$0x10];
	p1 =	sne.s32 s17, $0x1FC;
	[tilespmem:s15+$0x810 ss:$0x81] =	vst.msk $0xffff, v2;
	s19 =	smov.u32 s17;
	s17 =	sadd.s32 $0x4, s17  }
.Ltmp3:
0x35: {  	v2 =	vld [tilespmem:s18+$0xFFFFFFF0];
	[tilespmem:s15+$0x1020 ss:$0x81] =	vst.msk $0xffff, v0;
	(pc) =	sbr.rel @p1 .LBB1_3-.Ltmp3, $4  }
0x36: {  	v0 =	vld [tilespmem:s18+$0x0];
	[tilespmem:s15+$0x0 ss:$0x81] =	vst.msk $0xffff, v1  }
0x37: {  	s15 =	sshra.s32 s19, $0x2;
	v1 =	vld [tilespmem:s18+$0xFFFFFFE0]  }
0x38: {  	s15 =	sadd.s32 s15, s16  }
0x39: {  	s18 =	sadd.s32 $0x40, s18;
	[tilespmem:s15+$0x1830 ss:$0x81] =	vst.msk $0xffff, v3  }
.Ltmp4:
0x3a: {  	_ = 	snop;
	(pc) =	sbr.rel .LBB1_4-.Ltmp4, $1  }
0x3b: {  	_ =	sdelay $0x3  }
.LBB1_6:
0x3c: {  	_ =	sfence.sel $0x180000  }
0x3d: {  	s2 =	simm.s32 $0x1;
	[bflag:$0x0] =	sbarrier.arrive $0xFFFF  }
0x3e: {  	s31 =	simm.s32 $0x2;
	[sflag:s2] =	ssyncpa.u1 $0x1  }
0x3f: {  	[sflag:s31] =	ssyncpa.u1 $0x1  }
0x40: {  	p0 =	sne.s32 s0, $0x0;
	_ =	strace $0x9000004A  }
0x41: {  	s0 =	sadd.s32 @!p0 $0x100000, s1;
	[bflag:$0x2] =	sbarrier.arrive $0xFFFF  }
0x42: {  	[sflag:s0] =	ssyncadd.tile.s32 @!p0 $0x1;
	_ =	shalt  }
.Lfunc_end1:
_tile_overlayer_lowered:
.L_overlay_start_2:
0x43: {  	(tag) =	ssettag $0x2  }
0x44: {  	s0 =	rddreg [dreg:$0x0];
	s2 =	stileid.u32  }
0x45: {  	s1 =	rddreg [dreg:$0x1];
	p0 =	sne.s32 s2, $0x0  }
0x46: {  	s3 =	rddreg [dreg:$0x2];
	[bflag:$0x3] =	sbarrier.arrive $0xFFFF;
	s2 =	simm.s32 @!p0 $0x1C01  }
0x47: {  	[timem:s3], [sflag:s2] =	dma.local @!p0 [hbm:s0], s1  }
0x48: {  	s0 =	simm.s32 @!p0 $0x1  }
0x49: {  	_ =	swait.ge @!p0 [sflag:s0], s1  }
0x4a: {  	s1 =	ssub.s32 @!p0 $0x0, s1;
	[sflag:s0] =	ssyncset.done @!p0 $0x0  }
0x4b: {  	[sflag:s0] =	ssyncadd.s32 @!p0 s1  }
0x4c: {  	[bflag:$0x3] =	sbarrier.arrive $0xFFFF  }
0x4d: {  	_ =	shalt  }

</sc_bundles>
